<compile_context>
chip_gen: v7x
topology: tpu7x:2x2x1
jax: 0.10.2.dev20260603
libtpu: 0.0.44.dev20260713+nightly
codegen_flags: <defaults>
</compile_context>

<pallas_src>
import functools

import jax
import jax.numpy as jnp
from jax import lax
from jax.experimental import pallas as pl
from jax.experimental.pallas import tpu as pltpu
from jax.experimental.pallas import tpu_sc as plsc

MAXLEN = 200
VOCAB = 100000
EMBED = 64
BATCH = 4096

CHUNKS = [(0, 104), (104, 96)]
NSPLIT = len(CHUNKS)

NC, NS = 2, 16
NW = NC * NS
SEQ_PER_W = BATCH // NW
ADD_UNROLL = 4

_mesh = plsc.VectorSubcoreMesh(core_axis_name="c", subcore_axis_name="s")


def _make_sc_embed_chunk(l0, lchunk):
  lpairs = lchunk // 2
  @functools.partial(
      pl.kernel,
      out_type=jax.ShapeDtypeStruct((lpairs, BATCH, 128), jnp.float32),
      mesh=_mesh,
      compiler_params=pltpu.CompilerParams(use_tc_tiling_on_sc=False),
      scratch_types=[
          pltpu.VMEM((SEQ_PER_W, lchunk), jnp.int32),
          pltpu.VMEM((lchunk, EMBED), jnp.float32),
          pltpu.VMEM((lchunk, EMBED), jnp.float32),
          pltpu.VMEM((lchunk, EMBED), jnp.float32),
          pltpu.VMEM((lpairs, 128), jnp.float32),
          pltpu.VMEM((lpairs, 128), jnp.float32),
          pltpu.SemaphoreType.DMA,
          pltpu.SemaphoreType.DMA,
          pltpu.SemaphoreType.DMA,
          pltpu.SemaphoreType.DMA,
      ],
  )
  def _sc_embed_chunk(idx_hbm, tok_hbm, pos_hbm, out_hbm,
                      idx_all, pos_v, rows0, rows1, stg0, stg1,
                      gsem0, gsem1, wsem0, wsem1):
    wid = lax.axis_index("s") * NC + lax.axis_index("c")
    seq_base = wid * SEQ_PER_W
    rows = (rows0, rows1)
    stg = (stg0, stg1)
    gsem = (gsem0, gsem1)
    wsem = (wsem0, wsem1)

    pltpu.sync_copy(
        idx_hbm.at[pl.ds(seq_base, SEQ_PER_W), pl.ds(l0, lchunk)], idx_all)
    pltpu.sync_copy(pos_hbm.at[pl.ds(l0, lchunk)], pos_v)

    def start_gather(s, p):
        pltpu.async_copy(tok_hbm.at[idx_all.at[s]], rows[p], gsem[p])

    def drain_gather(p):
        pltpu.make_async_copy(tok_hbm.at[pl.ds(0, lchunk)], rows[p],
                              gsem[p]).wait()

    def add_and_write(s, p):
        @plsc.parallel_loop(0, lpairs, unroll=ADD_UNROLL)
        def _add(r2):
            for h in range(2):
                for c4 in range(EMBED // 16):
                    src = pl.ds(c4 * 16, 16)
                    dst = pl.ds(h * EMBED + c4 * 16, 16)
                    stg[p][r2, dst] = (rows[p][r2 * 2 + h, src]
                                       + pos_v[r2 * 2 + h, src])

        pltpu.async_copy(stg[p], out_hbm.at[pl.ds(0, lpairs), seq_base + s],
                         wsem[p])

    def drain_write(p):
        pltpu.make_async_copy(stg[p], out_hbm.at[pl.ds(0, lpairs), 0],
                              wsem[p]).wait()

    start_gather(0, 0)

    @pl.loop(0, SEQ_PER_W // 2)
    def _pipeline(h2):
        for par in (0, 1):
            s = h2 * 2 + par
            q = 1 - par

            @pl.when(s + 1 < SEQ_PER_W)
            def _():
                start_gather(s + 1, q)
            drain_gather(par)

            @pl.when(s >= 2)
            def _():
                drain_write(par)
            add_and_write(s, par)

    drain_write(0)
    drain_write(1)

  return _sc_embed_chunk


_sc_chunk_kernels = [_make_sc_embed_chunk(l0, lc) for l0, lc in CHUNKS]


def _tc_relayout_body(in_ref, _prev_ref, out_ref):
    t = in_ref[0]
    tt = jnp.transpose(t)
    out_ref[...] = tt.reshape(2, EMBED, BATCH)


def _tc_relayout_chunk(dense, out_buf, pair_off):
    lpairs = dense.shape[0]
    return pl.pallas_call(
        _tc_relayout_body,
        grid=(lpairs,),
        in_specs=[
            pl.BlockSpec((1, BATCH, 128), lambda i: (i, 0, 0)),
            pl.BlockSpec(memory_space=pl.ANY),
        ],
        out_specs=pl.BlockSpec((2, EMBED, BATCH),
                               lambda i, o=pair_off: (o + i, 0, 0)),
        out_shape=jax.ShapeDtypeStruct((MAXLEN, EMBED, BATCH), jnp.float32),
        input_output_aliases={1: 0},
    )(dense, out_buf)


def _tc_relayout_first_body(in_ref, out_ref):
    t = in_ref[0]
    tt = jnp.transpose(t)
    out_ref[...] = tt.reshape(2, EMBED, BATCH)


def _tc_relayout_first(dense):
    return pl.pallas_call(
        _tc_relayout_first_body,
        grid=(dense.shape[0],),
        in_specs=[pl.BlockSpec((1, BATCH, 128), lambda i: (i, 0, 0))],
        out_specs=pl.BlockSpec((2, EMBED, BATCH), lambda i: (i, 0, 0)),
        out_shape=jax.ShapeDtypeStruct((MAXLEN, EMBED, BATCH), jnp.float32),
    )(dense)


def kernel(x, token_table, pos_table):
    xi = x.astype(jnp.int32)
    chunks = [sc(xi, token_table, pos_table) for sc in _sc_chunk_kernels]
    out_t = _tc_relayout_first(chunks[0])
    pair_off = CHUNKS[0][1] // 2
    for k in range(1, NSPLIT):
        out_t = _tc_relayout_chunk(chunks[k], out_t, pair_off)
        pair_off += CHUNKS[k][1] // 2
    return out_t.transpose(2, 0, 1)

# --- scband reference (transcript-rebuilt; emitter-appended) ---
"""Pipeline reference for scband-token-and-position-embedding-42683384987711 (READ-ONLY COPY).

The authoritative reference and input builder live on the scoring server;
editing this copy changes nothing except your own understanding.
"""

import jax, jax.numpy as jnp
import numpy as np

MAXLEN = 200
VOCAB = 100000
EMBED = 64
BATCH = 4096

def setup_inputs(seed: int = 0) -> dict:
    key = jax.random.key(seed)
    k1, k2, k3 = jax.random.split(key, 3)
    x = jax.random.randint(k1, (BATCH, MAXLEN), 0, VOCAB, dtype=jnp.int64 if jax.config.jax_enable_x64 else jnp.int32)
    token_table = jax.random.normal(k2, (VOCAB, EMBED), dtype=jnp.float32) * 0.05
    pos_table = jax.random.normal(k3, (MAXLEN, EMBED), dtype=jnp.float32) * 0.05
    return {"x": x, "token_table": token_table, "pos_table": pos_table}

def reference(x, token_table, pos_table):
    # token embedding lookup (gather)
    tok = jnp.take(token_table, x, axis=0)          # [B, L, D]
    # position embedding: positions 0..L-1
    seqlen = x.shape[-1]
    positions = jnp.arange(seqlen)
    pos = jnp.take(pos_table, positions, axis=0)    # [L, D]
    return tok + pos[None, :, :]

if __name__ == "__main__":
    import jax
    _d = setup_inputs()
    print(jax.jit(kernel)(*tuple(_d.values())))

</pallas_src>

<mosaic_0001>
#map = affine_map<(d0, d1) -> (0, 0)>
#map1 = affine_map<(d0, d1) -> (0, 0, 0)>
module attributes {stable_mosaic.version = 14 : i64} {
  func.func @_sc_embed_chunk(%arg0: i32, %arg1: i32, %arg2: memref<4096x200xi32, #tpu.memory_space<hbm>>, %arg3: memref<100000x64xf32, #tpu.memory_space<hbm>>, %arg4: memref<200x64xf32, #tpu.memory_space<hbm>>, %arg5: memref<52x4096x128xf32, #tpu.memory_space<hbm>>, %arg6: memref<128x104xi32, #tpu.memory_space<vmem>>, %arg7: memref<104x64xf32, #tpu.memory_space<vmem>>, %arg8: memref<104x64xf32, #tpu.memory_space<vmem>>, %arg9: memref<104x64xf32, #tpu.memory_space<vmem>>, %arg10: memref<52x128xf32, #tpu.memory_space<vmem>>, %arg11: memref<52x128xf32, #tpu.memory_space<vmem>>, %arg12: memref<!tpu.dma_semaphore, #tpu.memory_space<semaphore_mem>>, %arg13: memref<!tpu.dma_semaphore, #tpu.memory_space<semaphore_mem>>, %arg14: memref<!tpu.dma_semaphore, #tpu.memory_space<semaphore_mem>>, %arg15: memref<!tpu.dma_semaphore, #tpu.memory_space<semaphore_mem>>) attributes {dimension_semantics = [#tpu.dimension_semantics<core_parallel>, #tpu.dimension_semantics<subcore_parallel>], iteration_bounds = array<i64: 2, 16>, scalar_prefetch = 0 : i64, scratch_operands = 10 : i64, tpu.core_type = #tpu.core_type<sc_vector_subcore>, window_params = [{transform_indices = #map}, {transform_indices = #map}, {transform_indices = #map}, {transform_indices = #map1}]} {
    %mul3A = arith.constant 2 : i32
    %mul3A_0 = arith.muli %arg1, %mul3A : i32
    %add3A = arith.addi %mul3A_0, %arg0 : i32
    %mul3A_1 = arith.constant 128 : i32
    %mul3A_2 = arith.muli %add3A, %mul3A_1 : i32
    "tpu.region"() ({
      %run_scoped3A = tpu.sem_alloc : memref<!tpu.dma_semaphore, #tpu.memory_space<semaphore_mem>>
      %dma_start3A_30 = arith.constant 0 : i32
      %dma_start3A_31 = tpu.memref_slice %arg2[%mul3A_2, %dma_start3A_30] : memref<4096x200xi32, #tpu.memory_space<hbm>> -> memref<128x104xi32, #tpu.memory_space<hbm>>
      %dma_start3A_32 = arith.constant 0 : i32
      %dma_start3A_33 = tpu.memref_slice %arg2[%mul3A_2, %dma_start3A_32] : memref<4096x200xi32, #tpu.memory_space<hbm>> -> memref<128x104xi32, #tpu.memory_space<hbm>>
      tpu.enqueue_dma source(%dma_start3A_33 : memref<128x104xi32, #tpu.memory_space<hbm>>) target(%arg6 : memref<128x104xi32, #tpu.memory_space<vmem>>) target_semaphore(%run_scoped3A : memref<!tpu.dma_semaphore, #tpu.memory_space<semaphore_mem>>)
      %dma_wait3A_34 = arith.constant 0 : i32
      %dma_wait3A_35 = tpu.memref_slice %arg2[%mul3A_2, %dma_wait3A_34] : memref<4096x200xi32, #tpu.memory_space<hbm>> -> memref<128x104xi32, #tpu.memory_space<hbm>>
      %dma_wait3A_36 = arith.constant 0 : i32
      %dma_wait3A_37 = tpu.memref_slice %arg2[%mul3A_2, %dma_wait3A_36] : memref<4096x200xi32, #tpu.memory_space<hbm>> -> memref<128x104xi32, #tpu.memory_space<hbm>>
      tpu.wait_dma2 semaphore(%run_scoped3A : memref<!tpu.dma_semaphore, #tpu.memory_space<semaphore_mem>>) src(%dma_wait3A_37 : memref<128x104xi32, #tpu.memory_space<hbm>>) dst(%arg6 : memref<128x104xi32, #tpu.memory_space<vmem>>)
      tpu.yield
    }) : () -> ()
    "tpu.region"() ({
      %run_scoped3A = tpu.sem_alloc : memref<!tpu.dma_semaphore, #tpu.memory_space<semaphore_mem>>
      %dma_start3A_30 = arith.constant 0 : i32
      %dma_start3A_31 = arith.constant 0 : i32
      %dma_start3A_32 = tpu.memref_slice %arg4[%dma_start3A_30, %dma_start3A_31] : memref<200x64xf32, #tpu.memory_space<hbm>> -> memref<104x64xf32, #tpu.memory_space<hbm>>
      %dma_start3A_33 = arith.constant 0 : i32
      %dma_start3A_34 = arith.constant 0 : i32
      %dma_start3A_35 = tpu.memref_slice %arg4[%dma_start3A_33, %dma_start3A_34] : memref<200x64xf32, #tpu.memory_space<hbm>> -> memref<104x64xf32, #tpu.memory_space<hbm>>
      tpu.enqueue_dma source(%dma_start3A_35 : memref<104x64xf32, #tpu.memory_space<hbm>>) target(%arg7 : memref<104x64xf32, #tpu.memory_space<vmem>>) target_semaphore(%run_scoped3A : memref<!tpu.dma_semaphore, #tpu.memory_space<semaphore_mem>>)
      %dma_wait3A_36 = arith.constant 0 : i32
      %dma_wait3A_37 = arith.constant 0 : i32
      %dma_wait3A_38 = tpu.memref_slice %arg4[%dma_wait3A_36, %dma_wait3A_37] : memref<200x64xf32, #tpu.memory_space<hbm>> -> memref<104x64xf32, #tpu.memory_space<hbm>>
      %dma_wait3A_39 = arith.constant 0 : i32
      %dma_wait3A_40 = arith.constant 0 : i32
      %dma_wait3A_41 = tpu.memref_slice %arg4[%dma_wait3A_39, %dma_wait3A_40] : memref<200x64xf32, #tpu.memory_space<hbm>> -> memref<104x64xf32, #tpu.memory_space<hbm>>
      tpu.wait_dma2 semaphore(%run_scoped3A : memref<!tpu.dma_semaphore, #tpu.memory_space<semaphore_mem>>) src(%dma_wait3A_41 : memref<104x64xf32, #tpu.memory_space<hbm>>) dst(%arg7 : memref<104x64xf32, #tpu.memory_space<vmem>>)
      tpu.yield
    }) : () -> ()
    %dma_start3A = arith.constant 0 : i32
    %dma_start3A_3 = arith.constant 0 : i32
    %dma_start3A_4 = tpu.memref_slice %arg6[%dma_start3A, %dma_start3A_3] : memref<128x104xi32, #tpu.memory_space<vmem>> -> memref<1x104xi32, #tpu.memory_space<vmem>>
    %dma_start3A_5 = tpu.memref_squeeze %dma_start3A_4 : memref<1x104xi32, #tpu.memory_space<vmem>> -> memref<104xi32, #tpu.memory_space<vmem>>
    %dma_start3A_6 = arith.constant 0 : i32
    %dma_start3A_7 = arith.constant 0 : i32
    %dma_start3A_8 = tpu.memref_slice %arg3[%dma_start3A_6, %dma_start3A_7] : memref<100000x64xf32, #tpu.memory_space<hbm>> -> memref<100000x64xf32, #tpu.memory_space<hbm>>
    tpu.enqueue_indirect_dma source(%dma_start3A_8 : memref<100000x64xf32, #tpu.memory_space<hbm>>) target(%arg8 : memref<104x64xf32, #tpu.memory_space<vmem>>) offsets(%dma_start3A_5 : memref<104xi32, #tpu.memory_space<vmem>>) semaphore(%arg12 : memref<!tpu.dma_semaphore, #tpu.memory_space<semaphore_mem>>)
    %scan3A = arith.constant 0 : i32
    %scan3A_9 = arith.constant 64 : i32
    %scan3A_10 = arith.addi %scan3A, %scan3A_9 : i32
    %scan3A_11 = arith.constant 1 : i32
    scf.for %scan3A_30 = %scan3A to %scan3A_10 step %scan3A_11  : i32 {
      %mul3A_31 = arith.constant 1 : i32
      %mul3A_32 = arith.muli %scan3A_30, %mul3A_31 : i32
      %add3A_33 = arith.constant 0 : i32
      %add3A_34 = arith.addi %add3A_33, %mul3A_32 : i32
      %mul3A_35 = arith.constant 2 : i32
      %mul3A_36 = arith.muli %add3A_34, %mul3A_35 : i32
      %add3A_37 = arith.constant 0 : i32
      %add3A_38 = arith.addi %mul3A_36, %add3A_37 : i32
      %add3A_39 = arith.constant 1 : i32
      %add3A_40 = arith.addi %add3A_38, %add3A_39 : i32
      %lt3A = arith.constant 128 : i32
      %lt3A_41 = arith.cmpi slt, %add3A_40, %lt3A : i32
      %convert_element_type3A = arith.extui %lt3A_41 : i1 to i32
      %cond3A = arith.constant 0 : i32
      %cond3A_42 = arith.cmpi ne, %convert_element_type3A, %cond3A : i32
      scf.if %cond3A_42 {
        %add3A_98 = arith.constant 1 : i32
        %add3A_99 = arith.addi %add3A_38, %add3A_98 : i32
        %dma_start3A_100 = arith.constant 0 : i32
        %dma_start3A_101 = tpu.memref_slice %arg6[%add3A_99, %dma_start3A_100] : memref<128x104xi32, #tpu.memory_space<vmem>> -> memref<1x104xi32, #tpu.memory_space<vmem>>
        %dma_start3A_102 = tpu.memref_squeeze %dma_start3A_101 : memref<1x104xi32, #tpu.memory_space<vmem>> -> memref<104xi32, #tpu.memory_space<vmem>>
        %dma_start3A_103 = arith.constant 0 : i32
        %dma_start3A_104 = arith.constant 0 : i32
        %dma_start3A_105 = tpu.memref_slice %arg3[%dma_start3A_103, %dma_start3A_104] : memref<100000x64xf32, #tpu.memory_space<hbm>> -> memref<100000x64xf32, #tpu.memory_space<hbm>>
        tpu.enqueue_indirect_dma source(%dma_start3A_105 : memref<100000x64xf32, #tpu.memory_space<hbm>>) target(%arg9 : memref<104x64xf32, #tpu.memory_space<vmem>>) offsets(%dma_start3A_102 : memref<104xi32, #tpu.memory_space<vmem>>) semaphore(%arg13 : memref<!tpu.dma_semaphore, #tpu.memory_space<semaphore_mem>>)
      } else {
      }
      %dma_wait3A_43 = arith.constant 0 : i32
      %dma_wait3A_44 = arith.constant 0 : i32
      %dma_wait3A_45 = tpu.memref_slice %arg3[%dma_wait3A_43, %dma_wait3A_44] : memref<100000x64xf32, #tpu.memory_space<hbm>> -> memref<104x64xf32, #tpu.memory_space<hbm>>
      %dma_wait3A_46 = arith.constant 0 : i32
      %dma_wait3A_47 = arith.constant 0 : i32
      %dma_wait3A_48 = tpu.memref_slice %arg3[%dma_wait3A_46, %dma_wait3A_47] : memref<100000x64xf32, #tpu.memory_space<hbm>> -> memref<104x64xf32, #tpu.memory_space<hbm>>
      tpu.wait_dma2 semaphore(%arg12 : memref<!tpu.dma_semaphore, #tpu.memory_space<semaphore_mem>>) src(%dma_wait3A_48 : memref<104x64xf32, #tpu.memory_space<hbm>>) dst(%arg8 : memref<104x64xf32, #tpu.memory_space<vmem>>)
      %ge3A = arith.constant 2 : i32
      %ge3A_49 = arith.cmpi sge, %add3A_38, %ge3A : i32
      %convert_element_type3A_50 = arith.extui %ge3A_49 : i1 to i32
      %cond3A_51 = arith.constant 0 : i32
      %cond3A_52 = arith.cmpi ne, %convert_element_type3A_50, %cond3A_51 : i32
      scf.if %cond3A_52 {
        %dma_wait3A_98 = arith.constant 0 : i32
        %dma_wait3A_99 = arith.constant 0 : i32
        %dma_wait3A_100 = arith.constant 0 : i32
        %dma_wait3A_101 = tpu.memref_slice %arg5[%dma_wait3A_99, %dma_wait3A_98, %dma_wait3A_100] : memref<52x4096x128xf32, #tpu.memory_space<hbm>> -> memref<52x1x128xf32, #tpu.memory_space<hbm>>
        %dma_wait3A_102 = tpu.memref_squeeze %dma_wait3A_101 : memref<52x1x128xf32, #tpu.memory_space<hbm>> -> memref<52x128xf32, #tpu.memory_space<hbm>>
        %dma_wait3A_103 = arith.constant 0 : i32
        %dma_wait3A_104 = arith.constant 0 : i32
        %dma_wait3A_105 = tpu.memref_slice %arg5[%dma_wait3A_103, %dma_wait3A_98, %dma_wait3A_104] : memref<52x4096x128xf32, #tpu.memory_space<hbm>> -> memref<52x1x128xf32, #tpu.memory_space<hbm>>
        %dma_wait3A_106 = tpu.memref_squeeze %dma_wait3A_105 : memref<52x1x128xf32, #tpu.memory_space<hbm>> -> memref<52x128xf32, #tpu.memory_space<hbm>>
        tpu.wait_dma2 semaphore(%arg14 : memref<!tpu.dma_semaphore, #tpu.memory_space<semaphore_mem>>) src(%arg10 : memref<52x128xf32, #tpu.memory_space<vmem>>) dst(%dma_wait3A_106 : memref<52x128xf32, #tpu.memory_space<hbm>>)
      } else {
      }
      %parallel_loop3A = arith.constant 0 : i32
      %parallel_loop3A_53 = arith.constant 52 : i32
      %parallel_loop3A_54 = arith.constant 1 : i32
      scf.for %parallel_loop3A_98 = %parallel_loop3A to %parallel_loop3A_53 step %parallel_loop3A_54  : i32 {
        %parallel_loop3A_99 = arith.constant 2 : i32
        %parallel_loop3A_100 = arith.muli %parallel_loop3A_98, %parallel_loop3A_99 : i32
        %parallel_loop3A_101 = arith.constant 0 : i32
        %parallel_loop3A_102 = arith.addi %parallel_loop3A_100, %parallel_loop3A_101 : i32
        %parallel_loop3A_103 = arith.index_cast %parallel_loop3A_102 : i32 to index
        %parallel_loop3A_104 = arith.constant 0 : index
        %parallel_loop3A_105 = tpu.vector_load %arg8[%parallel_loop3A_103, %parallel_loop3A_104] {strides = array<i32>} : memref<104x64xf32, #tpu.memory_space<vmem>>, vector<1x16xf32>,
        %parallel_loop3A_106 = vector.shape_cast %parallel_loop3A_105 : vector<1x16xf32> to vector<16xf32>
        %parallel_loop3A_107 = arith.constant 2 : i32
        %parallel_loop3A_108 = arith.muli %parallel_loop3A_98, %parallel_loop3A_107 : i32
        %parallel_loop3A_109 = arith.constant 0 : i32
        %parallel_loop3A_110 = arith.addi %parallel_loop3A_108, %parallel_loop3A_109 : i32
        %parallel_loop3A_111 = arith.index_cast %parallel_loop3A_110 : i32 to index
        %parallel_loop3A_112 = arith.constant 0 : index
        %parallel_loop3A_113 = tpu.vector_load %arg7[%parallel_loop3A_111, %parallel_loop3A_112] {strides = array<i32>} : memref<104x64xf32, #tpu.memory_space<vmem>>, vector<1x16xf32>,
        %parallel_loop3A_114 = vector.shape_cast %parallel_loop3A_113 : vector<1x16xf32> to vector<16xf32>
        %parallel_loop3A_115 = arith.addf %parallel_loop3A_106, %parallel_loop3A_114 : vector<16xf32>
        %parallel_loop3A_116 = arith.index_cast %parallel_loop3A_98 : i32 to index
        %parallel_loop3A_117 = arith.constant 0 : index
        %parallel_loop3A_118 = tpu.vector_load %arg10[%parallel_loop3A_116, %parallel_loop3A_117] {strides = array<i32>} : memref<52x128xf32, #tpu.memory_space<vmem>>, vector<1x16xf32>,
        %parallel_loop3A_119 = vector.shape_cast %parallel_loop3A_118 : vector<1x16xf32> to vector<16xf32>
        %parallel_loop3A_120 = vector.shape_cast %parallel_loop3A_115 : vector<16xf32> to vector<1x16xf32>
        tpu.vector_store %arg10[%parallel_loop3A_116, %parallel_loop3A_117], %parallel_loop3A_120 {strides = array<i32>} : memref<52x128xf32, #tpu.memory_space<vmem>>, vector<1x16xf32>,
        %parallel_loop3A_121 = arith.constant 2 : i32
        %parallel_loop3A_122 = arith.muli %parallel_loop3A_98, %parallel_loop3A_121 : i32
        %parallel_loop3A_123 = arith.constant 0 : i32
        %parallel_loop3A_124 = arith.addi %parallel_loop3A_122, %parallel_loop3A_123 : i32
        %parallel_loop3A_125 = arith.index_cast %parallel_loop3A_124 : i32 to index
        %parallel_loop3A_126 = arith.constant 16 : index
        %parallel_loop3A_127 = tpu.vector_load %arg8[%parallel_loop3A_125, %parallel_loop3A_126] {strides = array<i32>} : memref<104x64xf32, #tpu.memory_space<vmem>>, vector<1x16xf32>,
        %parallel_loop3A_128 = vector.shape_cast %parallel_loop3A_127 : vector<1x16xf32> to vector<16xf32>
        %parallel_loop3A_129 = arith.constant 2 : i32
        %parallel_loop3A_130 = arith.muli %parallel_loop3A_98, %parallel_loop3A_129 : i32
        %parallel_loop3A_131 = arith.constant 0 : i32
        %parallel_loop3A_132 = arith.addi %parallel_loop3A_130, %parallel_loop3A_131 : i32
        %parallel_loop3A_133 = arith.index_cast %parallel_loop3A_132 : i32 to index
        %parallel_loop3A_134 = arith.constant 16 : index
        %parallel_loop3A_135 = tpu.vector_load %arg7[%parallel_loop3A_133, %parallel_loop3A_134] {strides = array<i32>} : memref<104x64xf32, #tpu.memory_space<vmem>>, vector<1x16xf32>,
        %parallel_loop3A_136 = vector.shape_cast %parallel_loop3A_135 : vector<1x16xf32> to vector<16xf32>
        %parallel_loop3A_137 = arith.addf %parallel_loop3A_128, %parallel_loop3A_136 : vector<16xf32>
        %parallel_loop3A_138 = arith.index_cast %parallel_loop3A_98 : i32 to index
        %parallel_loop3A_139 = arith.constant 16 : index
        %parallel_loop3A_140 = tpu.vector_load %arg10[%parallel_loop3A_138, %parallel_loop3A_139] {strides = array<i32>} : memref<52x128xf32, #tpu.memory_space<vmem>>, vector<1x16xf32>,
        %parallel_loop3A_141 = vector.shape_cast %parallel_loop3A_140 : vector<1x16xf32> to vector<16xf32>
        %parallel_loop3A_142 = vector.shape_cast %parallel_loop3A_137 : vector<16xf32> to vector<1x16xf32>
        tpu.vector_store %arg10[%parallel_loop3A_138, %parallel_loop3A_139], %parallel_loop3A_142 {strides = array<i32>} : memref<52x128xf32, #tpu.memory_space<vmem>>, vector<1x16xf32>,
        %parallel_loop3A_143 = arith.constant 2 : i32
        %parallel_loop3A_144 = arith.muli %parallel_loop3A_98, %parallel_loop3A_143 : i32
        %parallel_loop3A_145 = arith.constant 0 : i32
        %parallel_loop3A_146 = arith.addi %parallel_loop3A_144, %parallel_loop3A_145 : i32
        %parallel_loop3A_147 = arith.index_cast %parallel_loop3A_146 : i32 to index
        %parallel_loop3A_148 = arith.constant 32 : index
        %parallel_loop3A_149 = tpu.vector_load %arg8[%parallel_loop3A_147, %parallel_loop3A_148] {strides = array<i32>} : memref<104x64xf32, #tpu.memory_space<vmem>>, vector<1x16xf32>,
        %parallel_loop3A_150 = vector.shape_cast %parallel_loop3A_149 : vector<1x16xf32> to vector<16xf32>
        %parallel_loop3A_151 = arith.constant 2 : i32
        %parallel_loop3A_152 = arith.muli %parallel_loop3A_98, %parallel_loop3A_151 : i32
        %parallel_loop3A_153 = arith.constant 0 : i32
        %parallel_loop3A_154 = arith.addi %parallel_loop3A_152, %parallel_loop3A_153 : i32
        %parallel_loop3A_155 = arith.index_cast %parallel_loop3A_154 : i32 to index
        %parallel_loop3A_156 = arith.constant 32 : index
        %parallel_loop3A_157 = tpu.vector_load %arg7[%parallel_loop3A_155, %parallel_loop3A_156] {strides = array<i32>} : memref<104x64xf32, #tpu.memory_space<vmem>>, vector<1x16xf32>,
        %parallel_loop3A_158 = vector.shape_cast %parallel_loop3A_157 : vector<1x16xf32> to vector<16xf32>
        %parallel_loop3A_159 = arith.addf %parallel_loop3A_150, %parallel_loop3A_158 : vector<16xf32>
        %parallel_loop3A_160 = arith.index_cast %parallel_loop3A_98 : i32 to index
        %parallel_loop3A_161 = arith.constant 32 : index
        %parallel_loop3A_162 = tpu.vector_load %arg10[%parallel_loop3A_160, %parallel_loop3A_161] {strides = array<i32>} : memref<52x128xf32, #tpu.memory_space<vmem>>, vector<1x16xf32>,
        %parallel_loop3A_163 = vector.shape_cast %parallel_loop3A_162 : vector<1x16xf32> to vector<16xf32>
        %parallel_loop3A_164 = vector.shape_cast %parallel_loop3A_159 : vector<16xf32> to vector<1x16xf32>
        tpu.vector_store %arg10[%parallel_loop3A_160, %parallel_loop3A_161], %parallel_loop3A_164 {strides = array<i32>} : memref<52x128xf32, #tpu.memory_space<vmem>>, vector<1x16xf32>,
        %parallel_loop3A_165 = arith.constant 2 : i32
        %parallel_loop3A_166 = arith.muli %parallel_loop3A_98, %parallel_loop3A_165 : i32
        %parallel_loop3A_167 = arith.constant 0 : i32
        %parallel_loop3A_168 = arith.addi %parallel_loop3A_166, %parallel_loop3A_167 : i32
        %parallel_loop3A_169 = arith.index_cast %parallel_loop3A_168 : i32 to index
        %parallel_loop3A_170 = arith.constant 48 : index
        %parallel_loop3A_171 = tpu.vector_load %arg8[%parallel_loop3A_169, %parallel_loop3A_170] {strides = array<i32>} : memref<104x64xf32, #tpu.memory_space<vmem>>, vector<1x16xf32>,
        %parallel_loop3A_172 = vector.shape_cast %parallel_loop3A_171 : vector<1x16xf32> to vector<16xf32>
        %parallel_loop3A_173 = arith.constant 2 : i32
        %parallel_loop3A_174 = arith.muli %parallel_loop3A_98, %parallel_loop3A_173 : i32
        %parallel_loop3A_175 = arith.constant 0 : i32
        %parallel_loop3A_176 = arith.addi %parallel_loop3A_174, %parallel_loop3A_175 : i32
        %parallel_loop3A_177 = arith.index_cast %parallel_loop3A_176 : i32 to index
        %parallel_loop3A_178 = arith.constant 48 : index
        %parallel_loop3A_179 = tpu.vector_load %arg7[%parallel_loop3A_177, %parallel_loop3A_178] {strides = array<i32>} : memref<104x64xf32, #tpu.memory_space<vmem>>, vector<1x16xf32>,
        %parallel_loop3A_180 = vector.shape_cast %parallel_loop3A_179 : vector<1x16xf32> to vector<16xf32>
        %parallel_loop3A_181 = arith.addf %parallel_loop3A_172, %parallel_loop3A_180 : vector<16xf32>
        %parallel_loop3A_182 = arith.index_cast %parallel_loop3A_98 : i32 to index
        %parallel_loop3A_183 = arith.constant 48 : index
        %parallel_loop3A_184 = tpu.vector_load %arg10[%parallel_loop3A_182, %parallel_loop3A_183] {strides = array<i32>} : memref<52x128xf32, #tpu.memory_space<vmem>>, vector<1x16xf32>,
        %parallel_loop3A_185 = vector.shape_cast %parallel_loop3A_184 : vector<1x16xf32> to vector<16xf32>
        %parallel_loop3A_186 = vector.shape_cast %parallel_loop3A_181 : vector<16xf32> to vector<1x16xf32>
        tpu.vector_store %arg10[%parallel_loop3A_182, %parallel_loop3A_183], %parallel_loop3A_186 {strides = array<i32>} : memref<52x128xf32, #tpu.memory_space<vmem>>, vector<1x16xf32>,
        %parallel_loop3A_187 = arith.constant 2 : i32
        %parallel_loop3A_188 = arith.muli %parallel_loop3A_98, %parallel_loop3A_187 : i32
        %parallel_loop3A_189 = arith.constant 1 : i32
        %parallel_loop3A_190 = arith.addi %parallel_loop3A_188, %parallel_loop3A_189 : i32
        %parallel_loop3A_191 = arith.index_cast %parallel_loop3A_190 : i32 to index
        %parallel_loop3A_192 = arith.constant 0 : index
        %parallel_loop3A_193 = tpu.vector_load %arg8[%parallel_loop3A_191, %parallel_loop3A_192] {strides = array<i32>} : memref<104x64xf32, #tpu.memory_space<vmem>>, vector<1x16xf32>,
        %parallel_loop3A_194 = vector.shape_cast %parallel_loop3A_193 : vector<1x16xf32> to vector<16xf32>
        %parallel_loop3A_195 = arith.constant 2 : i32
        %parallel_loop3A_196 = arith.muli %parallel_loop3A_98, %parallel_loop3A_195 : i32
        %parallel_loop3A_197 = arith.constant 1 : i32
        %parallel_loop3A_198 = arith.addi %parallel_loop3A_196, %parallel_loop3A_197 : i32
        %parallel_loop3A_199 = arith.index_cast %parallel_loop3A_198 : i32 to index
        %parallel_loop3A_200 = arith.constant 0 : index
        %parallel_loop3A_201 = tpu.vector_load %arg7[%parallel_loop3A_199, %parallel_loop3A_200] {strides = array<i32>} : memref<104x64xf32, #tpu.memory_space<vmem>>, vector<1x16xf32>,
        %parallel_loop3A_202 = vector.shape_cast %parallel_loop3A_201 : vector<1x16xf32> to vector<16xf32>
        %parallel_loop3A_203 = arith.addf %parallel_loop3A_194, %parallel_loop3A_202 : vector<16xf32>
        %parallel_loop3A_204 = arith.index_cast %parallel_loop3A_98 : i32 to index
        %parallel_loop3A_205 = arith.constant 64 : index
        %parallel_loop3A_206 = tpu.vector_load %arg10[%parallel_loop3A_204, %parallel_loop3A_205] {strides = array<i32>} : memref<52x128xf32, #tpu.memory_space<vmem>>, vector<1x16xf32>,
        %parallel_loop3A_207 = vector.shape_cast %parallel_loop3A_206 : vector<1x16xf32> to vector<16xf32>
        %parallel_loop3A_208 = vector.shape_cast %parallel_loop3A_203 : vector<16xf32> to vector<1x16xf32>
        tpu.vector_store %arg10[%parallel_loop3A_204, %parallel_loop3A_205], %parallel_loop3A_208 {strides = array<i32>} : memref<52x128xf32, #tpu.memory_space<vmem>>, vector<1x16xf32>,
        %parallel_loop3A_209 = arith.constant 2 : i32
        %parallel_loop3A_210 = arith.muli %parallel_loop3A_98, %parallel_loop3A_209 : i32
        %parallel_loop3A_211 = arith.constant 1 : i32
        %parallel_loop3A_212 = arith.addi %parallel_loop3A_210, %parallel_loop3A_211 : i32
        %parallel_loop3A_213 = arith.index_cast %parallel_loop3A_212 : i32 to index
        %parallel_loop3A_214 = arith.constant 16 : index
        %parallel_loop3A_215 = tpu.vector_load %arg8[%parallel_loop3A_213, %parallel_loop3A_214] {strides = array<i32>} : memref<104x64xf32, #tpu.memory_space<vmem>>, vector<1x16xf32>,
        %parallel_loop3A_216 = vector.shape_cast %parallel_loop3A_215 : vector<1x16xf32> to vector<16xf32>
        %parallel_loop3A_217 = arith.constant 2 : i32
        %parallel_loop3A_218 = arith.muli %parallel_loop3A_98, %parallel_loop3A_217 : i32
        %parallel_loop3A_219 = arith.constant 1 : i32
        %parallel_loop3A_220 = arith.addi %parallel_loop3A_218, %parallel_loop3A_219 : i32
        %parallel_loop3A_221 = arith.index_cast %parallel_loop3A_220 : i32 to index
        %parallel_loop3A_222 = arith.constant 16 : index
        %parallel_loop3A_223 = tpu.vector_load %arg7[%parallel_loop3A_221, %parallel_loop3A_222] {strides = array<i32>} : memref<104x64xf32, #tpu.memory_space<vmem>>, vector<1x16xf32>,
        %parallel_loop3A_224 = vector.shape_cast %parallel_loop3A_223 : vector<1x16xf32> to vector<16xf32>
        %parallel_loop3A_225 = arith.addf %parallel_loop3A_216, %parallel_loop3A_224 : vector<16xf32>
        %parallel_loop3A_226 = arith.index_cast %parallel_loop3A_98 : i32 to index
        %parallel_loop3A_227 = arith.constant 80 : index
        %parallel_loop3A_228 = tpu.vector_load %arg10[%parallel_loop3A_226, %parallel_loop3A_227] {strides = array<i32>} : memref<52x128xf32, #tpu.memory_space<vmem>>, vector<1x16xf32>,
        %parallel_loop3A_229 = vector.shape_cast %parallel_loop3A_228 : vector<1x16xf32> to vector<16xf32>
        %parallel_loop3A_230 = vector.shape_cast %parallel_loop3A_225 : vector<16xf32> to vector<1x16xf32>
        tpu.vector_store %arg10[%parallel_loop3A_226, %parallel_loop3A_227], %parallel_loop3A_230 {strides = array<i32>} : memref<52x128xf32, #tpu.memory_space<vmem>>, vector<1x16xf32>,
        %parallel_loop3A_231 = arith.constant 2 : i32
        %parallel_loop3A_232 = arith.muli %parallel_loop3A_98, %parallel_loop3A_231 : i32
        %parallel_loop3A_233 = arith.constant 1 : i32
        %parallel_loop3A_234 = arith.addi %parallel_loop3A_232, %parallel_loop3A_233 : i32
        %parallel_loop3A_235 = arith.index_cast %parallel_loop3A_234 : i32 to index
        %parallel_loop3A_236 = arith.constant 32 : index
        %parallel_loop3A_237 = tpu.vector_load %arg8[%parallel_loop3A_235, %parallel_loop3A_236] {strides = array<i32>} : memref<104x64xf32, #tpu.memory_space<vmem>>, vector<1x16xf32>,
        %parallel_loop3A_238 = vector.shape_cast %parallel_loop3A_237 : vector<1x16xf32> to vector<16xf32>
        %parallel_loop3A_239 = arith.constant 2 : i32
        %parallel_loop3A_240 = arith.muli %parallel_loop3A_98, %parallel_loop3A_239 : i32
        %parallel_loop3A_241 = arith.constant 1 : i32
        %parallel_loop3A_242 = arith.addi %parallel_loop3A_240, %parallel_loop3A_241 : i32
        %parallel_loop3A_243 = arith.index_cast %parallel_loop3A_242 : i32 to index
        %parallel_loop3A_244 = arith.constant 32 : index
        %parallel_loop3A_245 = tpu.vector_load %arg7[%parallel_loop3A_243, %parallel_loop3A_244] {strides = array<i32>} : memref<104x64xf32, #tpu.memory_space<vmem>>, vector<1x16xf32>,
        %parallel_loop3A_246 = vector.shape_cast %parallel_loop3A_245 : vector<1x16xf32> to vector<16xf32>
        %parallel_loop3A_247 = arith.addf %parallel_loop3A_238, %parallel_loop3A_246 : vector<16xf32>
        %parallel_loop3A_248 = arith.index_cast %parallel_loop3A_98 : i32 to index
        %parallel_loop3A_249 = arith.constant 96 : index
        %parallel_loop3A_250 = tpu.vector_load %arg10[%parallel_loop3A_248, %parallel_loop3A_249] {strides = array<i32>} : memref<52x128xf32, #tpu.memory_space<vmem>>, vector<1x16xf32>,
        %parallel_loop3A_251 = vector.shape_cast %parallel_loop3A_250 : vector<1x16xf32> to vector<16xf32>
        %parallel_loop3A_252 = vector.shape_cast %parallel_loop3A_247 : vector<16xf32> to vector<1x16xf32>
        tpu.vector_store %arg10[%parallel_loop3A_248, %parallel_loop3A_249], %parallel_loop3A_252 {strides = array<i32>} : memref<52x128xf32, #tpu.memory_space<vmem>>, vector<1x16xf32>,
        %parallel_loop3A_253 = arith.constant 2 : i32
        %parallel_loop3A_254 = arith.muli %parallel_loop3A_98, %parallel_loop3A_253 : i32
        %parallel_loop3A_255 = arith.constant 1 : i32
        %parallel_loop3A_256 = arith.addi %parallel_loop3A_254, %parallel_loop3A_255 : i32
        %parallel_loop3A_257 = arith.index_cast %parallel_loop3A_256 : i32 to index
        %parallel_loop3A_258 = arith.constant 48 : index
        %parallel_loop3A_259 = tpu.vector_load %arg8[%parallel_loop3A_257, %parallel_loop3A_258] {strides = array<i32>} : memref<104x64xf32, #tpu.memory_space<vmem>>, vector<1x16xf32>,
        %parallel_loop3A_260 = vector.shape_cast %parallel_loop3A_259 : vector<1x16xf32> to vector<16xf32>
        %parallel_loop3A_261 = arith.constant 2 : i32
        %parallel_loop3A_262 = arith.muli %parallel_loop3A_98, %parallel_loop3A_261 : i32
        %parallel_loop3A_263 = arith.constant 1 : i32
        %parallel_loop3A_264 = arith.addi %parallel_loop3A_262, %parallel_loop3A_263 : i32
        %parallel_loop3A_265 = arith.index_cast %parallel_loop3A_264 : i32 to index
        %parallel_loop3A_266 = arith.constant 48 : index
        %parallel_loop3A_267 = tpu.vector_load %arg7[%parallel_loop3A_265, %parallel_loop3A_266] {strides = array<i32>} : memref<104x64xf32, #tpu.memory_space<vmem>>, vector<1x16xf32>,
        %parallel_loop3A_268 = vector.shape_cast %parallel_loop3A_267 : vector<1x16xf32> to vector<16xf32>
        %parallel_loop3A_269 = arith.addf %parallel_loop3A_260, %parallel_loop3A_268 : vector<16xf32>
        %parallel_loop3A_270 = arith.index_cast %parallel_loop3A_98 : i32 to index
        %parallel_loop3A_271 = arith.constant 112 : index
        %parallel_loop3A_272 = tpu.vector_load %arg10[%parallel_loop3A_270, %parallel_loop3A_271] {strides = array<i32>} : memref<52x128xf32, #tpu.memory_space<vmem>>, vector<1x16xf32>,
        %parallel_loop3A_273 = vector.shape_cast %parallel_loop3A_272 : vector<1x16xf32> to vector<16xf32>
        %parallel_loop3A_274 = vector.shape_cast %parallel_loop3A_269 : vector<16xf32> to vector<1x16xf32>
        tpu.vector_store %arg10[%parallel_loop3A_270, %parallel_loop3A_271], %parallel_loop3A_274 {strides = array<i32>} : memref<52x128xf32, #tpu.memory_space<vmem>>, vector<1x16xf32>,
      } {sc.loop_unroll_factor = 4 : i64, sc.parallel_access}
      %add3A_55 = arith.addi %mul3A_2, %add3A_38 : i32
      %dma_start3A_56 = arith.constant 0 : i32
      %dma_start3A_57 = arith.constant 0 : i32
      %dma_start3A_58 = tpu.memref_slice %arg5[%dma_start3A_56, %add3A_55, %dma_start3A_57] : memref<52x4096x128xf32, #tpu.memory_space<hbm>> -> memref<52x1x128xf32, #tpu.memory_space<hbm>>
      %dma_start3A_59 = tpu.memref_squeeze %dma_start3A_58 : memref<52x1x128xf32, #tpu.memory_space<hbm>> -> memref<52x128xf32, #tpu.memory_space<hbm>>
      %dma_start3A_60 = arith.constant 0 : i32
      %dma_start3A_61 = arith.constant 0 : i32
      %dma_start3A_62 = tpu.memref_slice %arg5[%dma_start3A_60, %add3A_55, %dma_start3A_61] : memref<52x4096x128xf32, #tpu.memory_space<hbm>> -> memref<52x1x128xf32, #tpu.memory_space<hbm>>
      %dma_start3A_63 = tpu.memref_squeeze %dma_start3A_62 : memref<52x1x128xf32, #tpu.memory_space<hbm>> -> memref<52x128xf32, #tpu.memory_space<hbm>>
      tpu.enqueue_dma source(%arg10 : memref<52x128xf32, #tpu.memory_space<vmem>>) target(%dma_start3A_63 : memref<52x128xf32, #tpu.memory_space<hbm>>) target_semaphore(%arg14 : memref<!tpu.dma_semaphore, #tpu.memory_space<semaphore_mem>>)
      %mul3A_64 = arith.constant 2 : i32
      %mul3A_65 = arith.muli %add3A_34, %mul3A_64 : i32
      %add3A_66 = arith.constant 1 : i32
      %add3A_67 = arith.addi %mul3A_65, %add3A_66 : i32
      %add3A_68 = arith.constant 1 : i32
      %add3A_69 = arith.addi %add3A_67, %add3A_68 : i32
      %lt3A_70 = arith.constant 128 : i32
      %lt3A_71 = arith.cmpi slt, %add3A_69, %lt3A_70 : i32
      %convert_element_type3A_72 = arith.extui %lt3A_71 : i1 to i32
      %cond3A_73 = arith.constant 0 : i32
      %cond3A_74 = arith.cmpi ne, %convert_element_type3A_72, %cond3A_73 : i32
      scf.if %cond3A_74 {
        %add3A_98 = arith.constant 1 : i32
        %add3A_99 = arith.addi %add3A_67, %add3A_98 : i32
        %dma_start3A_100 = arith.constant 0 : i32
        %dma_start3A_101 = tpu.memref_slice %arg6[%add3A_99, %dma_start3A_100] : memref<128x104xi32, #tpu.memory_space<vmem>> -> memref<1x104xi32, #tpu.memory_space<vmem>>
        %dma_start3A_102 = tpu.memref_squeeze %dma_start3A_101 : memref<1x104xi32, #tpu.memory_space<vmem>> -> memref<104xi32, #tpu.memory_space<vmem>>
        %dma_start3A_103 = arith.constant 0 : i32
        %dma_start3A_104 = arith.constant 0 : i32
        %dma_start3A_105 = tpu.memref_slice %arg3[%dma_start3A_103, %dma_start3A_104] : memref<100000x64xf32, #tpu.memory_space<hbm>> -> memref<100000x64xf32, #tpu.memory_space<hbm>>
        tpu.enqueue_indirect_dma source(%dma_start3A_105 : memref<100000x64xf32, #tpu.memory_space<hbm>>) target(%arg8 : memref<104x64xf32, #tpu.memory_space<vmem>>) offsets(%dma_start3A_102 : memref<104xi32, #tpu.memory_space<vmem>>) semaphore(%arg12 : memref<!tpu.dma_semaphore, #tpu.memory_space<semaphore_mem>>)
      } else {
      }
      %dma_wait3A_75 = arith.constant 0 : i32
      %dma_wait3A_76 = arith.constant 0 : i32
      %dma_wait3A_77 = tpu.memref_slice %arg3[%dma_wait3A_75, %dma_wait3A_76] : memref<100000x64xf32, #tpu.memory_space<hbm>> -> memref<104x64xf32, #tpu.memory_space<hbm>>
      %dma_wait3A_78 = arith.constant 0 : i32
      %dma_wait3A_79 = arith.constant 0 : i32
      %dma_wait3A_80 = tpu.memref_slice %arg3[%dma_wait3A_78, %dma_wait3A_79] : memref<100000x64xf32, #tpu.memory_space<hbm>> -> memref<104x64xf32, #tpu.memory_space<hbm>>
      tpu.wait_dma2 semaphore(%arg13 : memref<!tpu.dma_semaphore, #tpu.memory_space<semaphore_mem>>) src(%dma_wait3A_80 : memref<104x64xf32, #tpu.memory_space<hbm>>) dst(%arg9 : memref<104x64xf32, #tpu.memory_space<vmem>>)
      %ge3A_81 = arith.constant 2 : i32
      %ge3A_82 = arith.cmpi sge, %add3A_67, %ge3A_81 : i32
      %convert_element_type3A_83 = arith.extui %ge3A_82 : i1 to i32
      %cond3A_84 = arith.constant 0 : i32
      %cond3A_85 = arith.cmpi ne, %convert_element_type3A_83, %cond3A_84 : i32
      scf.if %cond3A_85 {
        %dma_wait3A_98 = arith.constant 0 : i32
        %dma_wait3A_99 = arith.constant 0 : i32
        %dma_wait3A_100 = arith.constant 0 : i32
        %dma_wait3A_101 = tpu.memref_slice %arg5[%dma_wait3A_99, %dma_wait3A_98, %dma_wait3A_100] : memref<52x4096x128xf32, #tpu.memory_space<hbm>> -> memref<52x1x128xf32, #tpu.memory_space<hbm>>
        %dma_wait3A_102 = tpu.memref_squeeze %dma_wait3A_101 : memref<52x1x128xf32, #tpu.memory_space<hbm>> -> memref<52x128xf32, #tpu.memory_space<hbm>>
        %dma_wait3A_103 = arith.constant 0 : i32
        %dma_wait3A_104 = arith.constant 0 : i32
        %dma_wait3A_105 = tpu.memref_slice %arg5[%dma_wait3A_103, %dma_wait3A_98, %dma_wait3A_104] : memref<52x4096x128xf32, #tpu.memory_space<hbm>> -> memref<52x1x128xf32, #tpu.memory_space<hbm>>
        %dma_wait3A_106 = tpu.memref_squeeze %dma_wait3A_105 : memref<52x1x128xf32, #tpu.memory_space<hbm>> -> memref<52x128xf32, #tpu.memory_space<hbm>>
        tpu.wait_dma2 semaphore(%arg15 : memref<!tpu.dma_semaphore, #tpu.memory_space<semaphore_mem>>) src(%arg11 : memref<52x128xf32, #tpu.memory_space<vmem>>) dst(%dma_wait3A_106 : memref<52x128xf32, #tpu.memory_space<hbm>>)
      } else {
      }
      %parallel_loop3A_86 = arith.constant 0 : i32
      %parallel_loop3A_87 = arith.constant 52 : i32
      %parallel_loop3A_88 = arith.constant 1 : i32
      scf.for %parallel_loop3A_98 = %parallel_loop3A_86 to %parallel_loop3A_87 step %parallel_loop3A_88  : i32 {
        %parallel_loop3A_99 = arith.constant 2 : i32
        %parallel_loop3A_100 = arith.muli %parallel_loop3A_98, %parallel_loop3A_99 : i32
        %parallel_loop3A_101 = arith.constant 0 : i32
        %parallel_loop3A_102 = arith.addi %parallel_loop3A_100, %parallel_loop3A_101 : i32
        %parallel_loop3A_103 = arith.index_cast %parallel_loop3A_102 : i32 to index
        %parallel_loop3A_104 = arith.constant 0 : index
        %parallel_loop3A_105 = tpu.vector_load %arg9[%parallel_loop3A_103, %parallel_loop3A_104] {strides = array<i32>} : memref<104x64xf32, #tpu.memory_space<vmem>>, vector<1x16xf32>,
        %parallel_loop3A_106 = vector.shape_cast %parallel_loop3A_105 : vector<1x16xf32> to vector<16xf32>
        %parallel_loop3A_107 = arith.constant 2 : i32
        %parallel_loop3A_108 = arith.muli %parallel_loop3A_98, %parallel_loop3A_107 : i32
        %parallel_loop3A_109 = arith.constant 0 : i32
        %parallel_loop3A_110 = arith.addi %parallel_loop3A_108, %parallel_loop3A_109 : i32
        %parallel_loop3A_111 = arith.index_cast %parallel_loop3A_110 : i32 to index
        %parallel_loop3A_112 = arith.constant 0 : index
        %parallel_loop3A_113 = tpu.vector_load %arg7[%parallel_loop3A_111, %parallel_loop3A_112] {strides = array<i32>} : memref<104x64xf32, #tpu.memory_space<vmem>>, vector<1x16xf32>,
        %parallel_loop3A_114 = vector.shape_cast %parallel_loop3A_113 : vector<1x16xf32> to vector<16xf32>
        %parallel_loop3A_115 = arith.addf %parallel_loop3A_106, %parallel_loop3A_114 : vector<16xf32>
        %parallel_loop3A_116 = arith.index_cast %parallel_loop3A_98 : i32 to index
        %parallel_loop3A_117 = arith.constant 0 : index
        %parallel_loop3A_118 = tpu.vector_load %arg11[%parallel_loop3A_116, %parallel_loop3A_117] {strides = array<i32>} : memref<52x128xf32, #tpu.memory_space<vmem>>, vector<1x16xf32>,
        %parallel_loop3A_119 = vector.shape_cast %parallel_loop3A_118 : vector<1x16xf32> to vector<16xf32>
        %parallel_loop3A_120 = vector.shape_cast %parallel_loop3A_115 : vector<16xf32> to vector<1x16xf32>
        tpu.vector_store %arg11[%parallel_loop3A_116, %parallel_loop3A_117], %parallel_loop3A_120 {strides = array<i32>} : memref<52x128xf32, #tpu.memory_space<vmem>>, vector<1x16xf32>,
        %parallel_loop3A_121 = arith.constant 2 : i32
        %parallel_loop3A_122 = arith.muli %parallel_loop3A_98, %parallel_loop3A_121 : i32
        %parallel_loop3A_123 = arith.constant 0 : i32
        %parallel_loop3A_124 = arith.addi %parallel_loop3A_122, %parallel_loop3A_123 : i32
        %parallel_loop3A_125 = arith.index_cast %parallel_loop3A_124 : i32 to index
        %parallel_loop3A_126 = arith.constant 16 : index
        %parallel_loop3A_127 = tpu.vector_load %arg9[%parallel_loop3A_125, %parallel_loop3A_126] {strides = array<i32>} : memref<104x64xf32, #tpu.memory_space<vmem>>, vector<1x16xf32>,
        %parallel_loop3A_128 = vector.shape_cast %parallel_loop3A_127 : vector<1x16xf32> to vector<16xf32>
        %parallel_loop3A_129 = arith.constant 2 : i32
        %parallel_loop3A_130 = arith.muli %parallel_loop3A_98, %parallel_loop3A_129 : i32
        %parallel_loop3A_131 = arith.constant 0 : i32
        %parallel_loop3A_132 = arith.addi %parallel_loop3A_130, %parallel_loop3A_131 : i32
        %parallel_loop3A_133 = arith.index_cast %parallel_loop3A_132 : i32 to index
        %parallel_loop3A_134 = arith.constant 16 : index
        %parallel_loop3A_135 = tpu.vector_load %arg7[%parallel_loop3A_133, %parallel_loop3A_134] {strides = array<i32>} : memref<104x64xf32, #tpu.memory_space<vmem>>, vector<1x16xf32>,
        %parallel_loop3A_136 = vector.shape_cast %parallel_loop3A_135 : vector<1x16xf32> to vector<16xf32>
        %parallel_loop3A_137 = arith.addf %parallel_loop3A_128, %parallel_loop3A_136 : vector<16xf32>
        %parallel_loop3A_138 = arith.index_cast %parallel_loop3A_98 : i32 to index
        %parallel_loop3A_139 = arith.constant 16 : index
        %parallel_loop3A_140 = tpu.vector_load %arg11[%parallel_loop3A_138, %parallel_loop3A_139] {strides = array<i32>} : memref<52x128xf32, #tpu.memory_space<vmem>>, vector<1x16xf32>,
        %parallel_loop3A_141 = vector.shape_cast %parallel_loop3A_140 : vector<1x16xf32> to vector<16xf32>
        %parallel_loop3A_142 = vector.shape_cast %parallel_loop3A_137 : vector<16xf32> to vector<1x16xf32>
        tpu.vector_store %arg11[%parallel_loop3A_138, %parallel_loop3A_139], %parallel_loop3A_142 {strides = array<i32>} : memref<52x128xf32, #tpu.memory_space<vmem>>, vector<1x16xf32>,
        %parallel_loop3A_143 = arith.constant 2 : i32
        %parallel_loop3A_144 = arith.muli %parallel_loop3A_98, %parallel_loop3A_143 : i32
        %parallel_loop3A_145 = arith.constant 0 : i32
        %parallel_loop3A_146 = arith.addi %parallel_loop3A_144, %parallel_loop3A_145 : i32
        %parallel_loop3A_147 = arith.index_cast %parallel_loop3A_146 : i32 to index
        %parallel_loop3A_148 = arith.constant 32 : index
        %parallel_loop3A_149 = tpu.vector_load %arg9[%parallel_loop3A_147, %parallel_loop3A_148] {strides = array<i32>} : memref<104x64xf32, #tpu.memory_space<vmem>>, vector<1x16xf32>,
        %parallel_loop3A_150 = vector.shape_cast %parallel_loop3A_149 : vector<1x16xf32> to vector<16xf32>
        %parallel_loop3A_151 = arith.constant 2 : i32
        %parallel_loop3A_152 = arith.muli %parallel_loop3A_98, %parallel_loop3A_151 : i32
        %parallel_loop3A_153 = arith.constant 0 : i32
        %parallel_loop3A_154 = arith.addi %parallel_loop3A_152, %parallel_loop3A_153 : i32
        %parallel_loop3A_155 = arith.index_cast %parallel_loop3A_154 : i32 to index
        %parallel_loop3A_156 = arith.constant 32 : index
        %parallel_loop3A_157 = tpu.vector_load %arg7[%parallel_loop3A_155, %parallel_loop3A_156] {strides = array<i32>} : memref<104x64xf32, #tpu.memory_space<vmem>>, vector<1x16xf32>,
        %parallel_loop3A_158 = vector.shape_cast %parallel_loop3A_157 : vector<1x16xf32> to vector<16xf32>
        %parallel_loop3A_159 = arith.addf %parallel_loop3A_150, %parallel_loop3A_158 : vector<16xf32>
        %parallel_loop3A_160 = arith.index_cast %parallel_loop3A_98 : i32 to index
        %parallel_loop3A_161 = arith.constant 32 : index
        %parallel_loop3A_162 = tpu.vector_load %arg11[%parallel_loop3A_160, %parallel_loop3A_161] {strides = array<i32>} : memref<52x128xf32, #tpu.memory_space<vmem>>, vector<1x16xf32>,
        %parallel_loop3A_163 = vector.shape_cast %parallel_loop3A_162 : vector<1x16xf32> to vector<16xf32>
        %parallel_loop3A_164 = vector.shape_cast %parallel_loop3A_159 : vector<16xf32> to vector<1x16xf32>
        tpu.vector_store %arg11[%parallel_loop3A_160, %parallel_loop3A_161], %parallel_loop3A_164 {strides = array<i32>} : memref<52x128xf32, #tpu.memory_space<vmem>>, vector<1x16xf32>,
        %parallel_loop3A_165 = arith.constant 2 : i32
        %parallel_loop3A_166 = arith.muli %parallel_loop3A_98, %parallel_loop3A_165 : i32
        %parallel_loop3A_167 = arith.constant 0 : i32
        %parallel_loop3A_168 = arith.addi %parallel_loop3A_166, %parallel_loop3A_167 : i32
        %parallel_loop3A_169 = arith.index_cast %parallel_loop3A_168 : i32 to index
        %parallel_loop3A_170 = arith.constant 48 : index
        %parallel_loop3A_171 = tpu.vector_load %arg9[%parallel_loop3A_169, %parallel_loop3A_170] {strides = array<i32>} : memref<104x64xf32, #tpu.memory_space<vmem>>, vector<1x16xf32>,
        %parallel_loop3A_172 = vector.shape_cast %parallel_loop3A_171 : vector<1x16xf32> to vector<16xf32>
        %parallel_loop3A_173 = arith.constant 2 : i32
        %parallel_loop3A_174 = arith.muli %parallel_loop3A_98, %parallel_loop3A_173 : i32
        %parallel_loop3A_175 = arith.constant 0 : i32
        %parallel_loop3A_176 = arith.addi %parallel_loop3A_174, %parallel_loop3A_175 : i32
        %parallel_loop3A_177 = arith.index_cast %parallel_loop3A_176 : i32 to index
        %parallel_loop3A_178 = arith.constant 48 : index
        %parallel_loop3A_179 = tpu.vector_load %arg7[%parallel_loop3A_177, %parallel_loop3A_178] {strides = array<i32>} : memref<104x64xf32, #tpu.memory_space<vmem>>, vector<1x16xf32>,
        %parallel_loop3A_180 = vector.shape_cast %parallel_loop3A_179 : vector<1x16xf32> to vector<16xf32>
        %parallel_loop3A_181 = arith.addf %parallel_loop3A_172, %parallel_loop3A_180 : vector<16xf32>
        %parallel_loop3A_182 = arith.index_cast %parallel_loop3A_98 : i32 to index
        %parallel_loop3A_183 = arith.constant 48 : index
        %parallel_loop3A_184 = tpu.vector_load %arg11[%parallel_loop3A_182, %parallel_loop3A_183] {strides = array<i32>} : memref<52x128xf32, #tpu.memory_space<vmem>>, vector<1x16xf32>,
        %parallel_loop3A_185 = vector.shape_cast %parallel_loop3A_184 : vector<1x16xf32> to vector<16xf32>
        %parallel_loop3A_186 = vector.shape_cast %parallel_loop3A_181 : vector<16xf32> to vector<1x16xf32>
        tpu.vector_store %arg11[%parallel_loop3A_182, %parallel_loop3A_183], %parallel_loop3A_186 {strides = array<i32>} : memref<52x128xf32, #tpu.memory_space<vmem>>, vector<1x16xf32>,
        %parallel_loop3A_187 = arith.constant 2 : i32
        %parallel_loop3A_188 = arith.muli %parallel_loop3A_98, %parallel_loop3A_187 : i32
        %parallel_loop3A_189 = arith.constant 1 : i32
        %parallel_loop3A_190 = arith.addi %parallel_loop3A_188, %parallel_loop3A_189 : i32
        %parallel_loop3A_191 = arith.index_cast %parallel_loop3A_190 : i32 to index
        %parallel_loop3A_192 = arith.constant 0 : index
        %parallel_loop3A_193 = tpu.vector_load %arg9[%parallel_loop3A_191, %parallel_loop3A_192] {strides = array<i32>} : memref<104x64xf32, #tpu.memory_space<vmem>>, vector<1x16xf32>,
        %parallel_loop3A_194 = vector.shape_cast %parallel_loop3A_193 : vector<1x16xf32> to vector<16xf32>
        %parallel_loop3A_195 = arith.constant 2 : i32
        %parallel_loop3A_196 = arith.muli %parallel_loop3A_98, %parallel_loop3A_195 : i32
        %parallel_loop3A_197 = arith.constant 1 : i32
        %parallel_loop3A_198 = arith.addi %parallel_loop3A_196, %parallel_loop3A_197 : i32
        %parallel_loop3A_199 = arith.index_cast %parallel_loop3A_198 : i32 to index
        %parallel_loop3A_200 = arith.constant 0 : index
        %parallel_loop3A_201 = tpu.vector_load %arg7[%parallel_loop3A_199, %parallel_loop3A_200] {strides = array<i32>} : memref<104x64xf32, #tpu.memory_space<vmem>>, vector<1x16xf32>,
        %parallel_loop3A_202 = vector.shape_cast %parallel_loop3A_201 : vector<1x16xf32> to vector<16xf32>
        %parallel_loop3A_203 = arith.addf %parallel_loop3A_194, %parallel_loop3A_202 : vector<16xf32>
        %parallel_loop3A_204 = arith.index_cast %parallel_loop3A_98 : i32 to index
        %parallel_loop3A_205 = arith.constant 64 : index
        %parallel_loop3A_206 = tpu.vector_load %arg11[%parallel_loop3A_204, %parallel_loop3A_205] {strides = array<i32>} : memref<52x128xf32, #tpu.memory_space<vmem>>, vector<1x16xf32>,
        %parallel_loop3A_207 = vector.shape_cast %parallel_loop3A_206 : vector<1x16xf32> to vector<16xf32>
        %parallel_loop3A_208 = vector.shape_cast %parallel_loop3A_203 : vector<16xf32> to vector<1x16xf32>
        tpu.vector_store %arg11[%parallel_loop3A_204, %parallel_loop3A_205], %parallel_loop3A_208 {strides = array<i32>} : memref<52x128xf32, #tpu.memory_space<vmem>>, vector<1x16xf32>,
        %parallel_loop3A_209 = arith.constant 2 : i32
        %parallel_loop3A_210 = arith.muli %parallel_loop3A_98, %parallel_loop3A_209 : i32
        %parallel_loop3A_211 = arith.constant 1 : i32
        %parallel_loop3A_212 = arith.addi %parallel_loop3A_210, %parallel_loop3A_211 : i32
        %parallel_loop3A_213 = arith.index_cast %parallel_loop3A_212 : i32 to index
        %parallel_loop3A_214 = arith.constant 16 : index
        %parallel_loop3A_215 = tpu.vector_load %arg9[%parallel_loop3A_213, %parallel_loop3A_214] {strides = array<i32>} : memref<104x64xf32, #tpu.memory_space<vmem>>, vector<1x16xf32>,
        %parallel_loop3A_216 = vector.shape_cast %parallel_loop3A_215 : vector<1x16xf32> to vector<16xf32>
        %parallel_loop3A_217 = arith.constant 2 : i32
        %parallel_loop3A_218 = arith.muli %parallel_loop3A_98, %parallel_loop3A_217 : i32
        %parallel_loop3A_219 = arith.constant 1 : i32
        %parallel_loop3A_220 = arith.addi %parallel_loop3A_218, %parallel_loop3A_219 : i32
        %parallel_loop3A_221 = arith.index_cast %parallel_loop3A_220 : i32 to index
        %parallel_loop3A_222 = arith.constant 16 : index
        %parallel_loop3A_223 = tpu.vector_load %arg7[%parallel_loop3A_221, %parallel_loop3A_222] {strides = array<i32>} : memref<104x64xf32, #tpu.memory_space<vmem>>, vector<1x16xf32>,
        %parallel_loop3A_224 = vector.shape_cast %parallel_loop3A_223 : vector<1x16xf32> to vector<16xf32>
        %parallel_loop3A_225 = arith.addf %parallel_loop3A_216, %parallel_loop3A_224 : vector<16xf32>
        %parallel_loop3A_226 = arith.index_cast %parallel_loop3A_98 : i32 to index
        %parallel_loop3A_227 = arith.constant 80 : index
        %parallel_loop3A_228 = tpu.vector_load %arg11[%parallel_loop3A_226, %parallel_loop3A_227] {strides = array<i32>} : memref<52x128xf32, #tpu.memory_space<vmem>>, vector<1x16xf32>,
        %parallel_loop3A_229 = vector.shape_cast %parallel_loop3A_228 : vector<1x16xf32> to vector<16xf32>
        %parallel_loop3A_230 = vector.shape_cast %parallel_loop3A_225 : vector<16xf32> to vector<1x16xf32>
        tpu.vector_store %arg11[%parallel_loop3A_226, %parallel_loop3A_227], %parallel_loop3A_230 {strides = array<i32>} : memref<52x128xf32, #tpu.memory_space<vmem>>, vector<1x16xf32>,
        %parallel_loop3A_231 = arith.constant 2 : i32
        %parallel_loop3A_232 = arith.muli %parallel_loop3A_98, %parallel_loop3A_231 : i32
        %parallel_loop3A_233 = arith.constant 1 : i32
        %parallel_loop3A_234 = arith.addi %parallel_loop3A_232, %parallel_loop3A_233 : i32
        %parallel_loop3A_235 = arith.index_cast %parallel_loop3A_234 : i32 to index
        %parallel_loop3A_236 = arith.constant 32 : index
        %parallel_loop3A_237 = tpu.vector_load %arg9[%parallel_loop3A_235, %parallel_loop3A_236] {strides = array<i32>} : memref<104x64xf32, #tpu.memory_space<vmem>>, vector<1x16xf32>,
        %parallel_loop3A_238 = vector.shape_cast %parallel_loop3A_237 : vector<1x16xf32> to vector<16xf32>
        %parallel_loop3A_239 = arith.constant 2 : i32
        %parallel_loop3A_240 = arith.muli %parallel_loop3A_98, %parallel_loop3A_239 : i32
        %parallel_loop3A_241 = arith.constant 1 : i32
        %parallel_loop3A_242 = arith.addi %parallel_loop3A_240, %parallel_loop3A_241 : i32
        %parallel_loop3A_243 = arith.index_cast %parallel_loop3A_242 : i32 to index
        %parallel_loop3A_244 = arith.constant 32 : index
        %parallel_loop3A_245 = tpu.vector_load %arg7[%parallel_loop3A_243, %parallel_loop3A_244] {strides = array<i32>} : memref<104x64xf32, #tpu.memory_space<vmem>>, vector<1x16xf32>,
        %parallel_loop3A_246 = vector.shape_cast %parallel_loop3A_245 : vector<1x16xf32> to vector<16xf32>
        %parallel_loop3A_247 = arith.addf %parallel_loop3A_238, %parallel_loop3A_246 : vector<16xf32>
        %parallel_loop3A_248 = arith.index_cast %parallel_loop3A_98 : i32 to index
        %parallel_loop3A_249 = arith.constant 96 : index
        %parallel_loop3A_250 = tpu.vector_load %arg11[%parallel_loop3A_248, %parallel_loop3A_249] {strides = array<i32>} : memref<52x128xf32, #tpu.memory_space<vmem>>, vector<1x16xf32>,
        %parallel_loop3A_251 = vector.shape_cast %parallel_loop3A_250 : vector<1x16xf32> to vector<16xf32>
        %parallel_loop3A_252 = vector.shape_cast %parallel_loop3A_247 : vector<16xf32> to vector<1x16xf32>
        tpu.vector_store %arg11[%parallel_loop3A_248, %parallel_loop3A_249], %parallel_loop3A_252 {strides = array<i32>} : memref<52x128xf32, #tpu.memory_space<vmem>>, vector<1x16xf32>,
        %parallel_loop3A_253 = arith.constant 2 : i32
        %parallel_loop3A_254 = arith.muli %parallel_loop3A_98, %parallel_loop3A_253 : i32
        %parallel_loop3A_255 = arith.constant 1 : i32
        %parallel_loop3A_256 = arith.addi %parallel_loop3A_254, %parallel_loop3A_255 : i32
        %parallel_loop3A_257 = arith.index_cast %parallel_loop3A_256 : i32 to index
        %parallel_loop3A_258 = arith.constant 48 : index
        %parallel_loop3A_259 = tpu.vector_load %arg9[%parallel_loop3A_257, %parallel_loop3A_258] {strides = array<i32>} : memref<104x64xf32, #tpu.memory_space<vmem>>, vector<1x16xf32>,
        %parallel_loop3A_260 = vector.shape_cast %parallel_loop3A_259 : vector<1x16xf32> to vector<16xf32>
        %parallel_loop3A_261 = arith.constant 2 : i32
        %parallel_loop3A_262 = arith.muli %parallel_loop3A_98, %parallel_loop3A_261 : i32
        %parallel_loop3A_263 = arith.constant 1 : i32
        %parallel_loop3A_264 = arith.addi %parallel_loop3A_262, %parallel_loop3A_263 : i32
        %parallel_loop3A_265 = arith.index_cast %parallel_loop3A_264 : i32 to index
        %parallel_loop3A_266 = arith.constant 48 : index
        %parallel_loop3A_267 = tpu.vector_load %arg7[%parallel_loop3A_265, %parallel_loop3A_266] {strides = array<i32>} : memref<104x64xf32, #tpu.memory_space<vmem>>, vector<1x16xf32>,
        %parallel_loop3A_268 = vector.shape_cast %parallel_loop3A_267 : vector<1x16xf32> to vector<16xf32>
        %parallel_loop3A_269 = arith.addf %parallel_loop3A_260, %parallel_loop3A_268 : vector<16xf32>
        %parallel_loop3A_270 = arith.index_cast %parallel_loop3A_98 : i32 to index
        %parallel_loop3A_271 = arith.constant 112 : index
        %parallel_loop3A_272 = tpu.vector_load %arg11[%parallel_loop3A_270, %parallel_loop3A_271] {strides = array<i32>} : memref<52x128xf32, #tpu.memory_space<vmem>>, vector<1x16xf32>,
        %parallel_loop3A_273 = vector.shape_cast %parallel_loop3A_272 : vector<1x16xf32> to vector<16xf32>
        %parallel_loop3A_274 = vector.shape_cast %parallel_loop3A_269 : vector<16xf32> to vector<1x16xf32>
        tpu.vector_store %arg11[%parallel_loop3A_270, %parallel_loop3A_271], %parallel_loop3A_274 {strides = array<i32>} : memref<52x128xf32, #tpu.memory_space<vmem>>, vector<1x16xf32>,
      } {sc.loop_unroll_factor = 4 : i64, sc.parallel_access}
      %add3A_89 = arith.addi %mul3A_2, %add3A_67 : i32
      %dma_start3A_90 = arith.constant 0 : i32
      %dma_start3A_91 = arith.constant 0 : i32
      %dma_start3A_92 = tpu.memref_slice %arg5[%dma_start3A_90, %add3A_89, %dma_start3A_91] : memref<52x4096x128xf32, #tpu.memory_space<hbm>> -> memref<52x1x128xf32, #tpu.memory_space<hbm>>
      %dma_start3A_93 = tpu.memref_squeeze %dma_start3A_92 : memref<52x1x128xf32, #tpu.memory_space<hbm>> -> memref<52x128xf32, #tpu.memory_space<hbm>>
      %dma_start3A_94 = arith.constant 0 : i32
      %dma_start3A_95 = arith.constant 0 : i32
      %dma_start3A_96 = tpu.memref_slice %arg5[%dma_start3A_94, %add3A_89, %dma_start3A_95] : memref<52x4096x128xf32, #tpu.memory_space<hbm>> -> memref<52x1x128xf32, #tpu.memory_space<hbm>>
      %dma_start3A_97 = tpu.memref_squeeze %dma_start3A_96 : memref<52x1x128xf32, #tpu.memory_space<hbm>> -> memref<52x128xf32, #tpu.memory_space<hbm>>
      tpu.enqueue_dma source(%arg11 : memref<52x128xf32, #tpu.memory_space<vmem>>) target(%dma_start3A_97 : memref<52x128xf32, #tpu.memory_space<hbm>>) target_semaphore(%arg15 : memref<!tpu.dma_semaphore, #tpu.memory_space<semaphore_mem>>)
    }
    %scan3A_12 = arith.constant 64 : i32
    %dma_wait3A = arith.constant 0 : i32
    %dma_wait3A_13 = arith.constant 0 : i32
    %dma_wait3A_14 = arith.constant 0 : i32
    %dma_wait3A_15 = tpu.memref_slice %arg5[%dma_wait3A_13, %dma_wait3A, %dma_wait3A_14] : memref<52x4096x128xf32, #tpu.memory_space<hbm>> -> memref<52x1x128xf32, #tpu.memory_space<hbm>>
    %dma_wait3A_16 = tpu.memref_squeeze %dma_wait3A_15 : memref<52x1x128xf32, #tpu.memory_space<hbm>> -> memref<52x128xf32, #tpu.memory_space<hbm>>
    %dma_wait3A_17 = arith.constant 0 : i32
    %dma_wait3A_18 = arith.constant 0 : i32
    %dma_wait3A_19 = tpu.memref_slice %arg5[%dma_wait3A_17, %dma_wait3A, %dma_wait3A_18] : memref<52x4096x128xf32, #tpu.memory_space<hbm>> -> memref<52x1x128xf32, #tpu.memory_space<hbm>>
    %dma_wait3A_20 = tpu.memref_squeeze %dma_wait3A_19 : memref<52x1x128xf32, #tpu.memory_space<hbm>> -> memref<52x128xf32, #tpu.memory_space<hbm>>
    tpu.wait_dma2 semaphore(%arg14 : memref<!tpu.dma_semaphore, #tpu.memory_space<semaphore_mem>>) src(%arg10 : memref<52x128xf32, #tpu.memory_space<vmem>>) dst(%dma_wait3A_20 : memref<52x128xf32, #tpu.memory_space<hbm>>)
    %dma_wait3A_21 = arith.constant 0 : i32
    %dma_wait3A_22 = arith.constant 0 : i32
    %dma_wait3A_23 = arith.constant 0 : i32
    %dma_wait3A_24 = tpu.memref_slice %arg5[%dma_wait3A_22, %dma_wait3A_21, %dma_wait3A_23] : memref<52x4096x128xf32, #tpu.memory_space<hbm>> -> memref<52x1x128xf32, #tpu.memory_space<hbm>>
    %dma_wait3A_25 = tpu.memref_squeeze %dma_wait3A_24 : memref<52x1x128xf32, #tpu.memory_space<hbm>> -> memref<52x128xf32, #tpu.memory_space<hbm>>
    %dma_wait3A_26 = arith.constant 0 : i32
    %dma_wait3A_27 = arith.constant 0 : i32
    %dma_wait3A_28 = tpu.memref_slice %arg5[%dma_wait3A_26, %dma_wait3A_21, %dma_wait3A_27] : memref<52x4096x128xf32, #tpu.memory_space<hbm>> -> memref<52x1x128xf32, #tpu.memory_space<hbm>>
    %dma_wait3A_29 = tpu.memref_squeeze %dma_wait3A_28 : memref<52x1x128xf32, #tpu.memory_space<hbm>> -> memref<52x128xf32, #tpu.memory_space<hbm>>
    tpu.wait_dma2 semaphore(%arg15 : memref<!tpu.dma_semaphore, #tpu.memory_space<semaphore_mem>>) src(%arg11 : memref<52x128xf32, #tpu.memory_space<vmem>>) dst(%dma_wait3A_29 : memref<52x128xf32, #tpu.memory_space<hbm>>)
    return
  }
}

#map = affine_map<(d0, d1) -> (0, 0)>
#map1 = affine_map<(d0, d1) -> (0, 0, 0)>
module attributes {stable_mosaic.version = 14 : i64} {
  func.func @_sc_embed_chunk(%arg0: i32, %arg1: i32, %arg2: memref<4096x200xi32, #tpu.memory_space<hbm>>, %arg3: memref<100000x64xf32, #tpu.memory_space<hbm>>, %arg4: memref<200x64xf32, #tpu.memory_space<hbm>>, %arg5: memref<48x4096x128xf32, #tpu.memory_space<hbm>>, %arg6: memref<128x96xi32, #tpu.memory_space<vmem>>, %arg7: memref<96x64xf32, #tpu.memory_space<vmem>>, %arg8: memref<96x64xf32, #tpu.memory_space<vmem>>, %arg9: memref<96x64xf32, #tpu.memory_space<vmem>>, %arg10: memref<48x128xf32, #tpu.memory_space<vmem>>, %arg11: memref<48x128xf32, #tpu.memory_space<vmem>>, %arg12: memref<!tpu.dma_semaphore, #tpu.memory_space<semaphore_mem>>, %arg13: memref<!tpu.dma_semaphore, #tpu.memory_space<semaphore_mem>>, %arg14: memref<!tpu.dma_semaphore, #tpu.memory_space<semaphore_mem>>, %arg15: memref<!tpu.dma_semaphore, #tpu.memory_space<semaphore_mem>>) attributes {dimension_semantics = [#tpu.dimension_semantics<core_parallel>, #tpu.dimension_semantics<subcore_parallel>], iteration_bounds = array<i64: 2, 16>, scalar_prefetch = 0 : i64, scratch_operands = 10 : i64, tpu.core_type = #tpu.core_type<sc_vector_subcore>, window_params = [{transform_indices = #map}, {transform_indices = #map}, {transform_indices = #map}, {transform_indices = #map1}]} {
    %mul3A = arith.constant 2 : i32
    %mul3A_0 = arith.muli %arg1, %mul3A : i32
    %add3A = arith.addi %mul3A_0, %arg0 : i32
    %mul3A_1 = arith.constant 128 : i32
    %mul3A_2 = arith.muli %add3A, %mul3A_1 : i32
    "tpu.region"() ({
      %run_scoped3A = tpu.sem_alloc : memref<!tpu.dma_semaphore, #tpu.memory_space<semaphore_mem>>
      %dma_start3A_30 = arith.constant 104 : i32
      %dma_start3A_31 = tpu.memref_slice %arg2[%mul3A_2, %dma_start3A_30] : memref<4096x200xi32, #tpu.memory_space<hbm>> -> memref<128x96xi32, #tpu.memory_space<hbm>>
      %dma_start3A_32 = arith.constant 104 : i32
      %dma_start3A_33 = tpu.memref_slice %arg2[%mul3A_2, %dma_start3A_32] : memref<4096x200xi32, #tpu.memory_space<hbm>> -> memref<128x96xi32, #tpu.memory_space<hbm>>
      tpu.enqueue_dma source(%dma_start3A_33 : memref<128x96xi32, #tpu.memory_space<hbm>>) target(%arg6 : memref<128x96xi32, #tpu.memory_space<vmem>>) target_semaphore(%run_scoped3A : memref<!tpu.dma_semaphore, #tpu.memory_space<semaphore_mem>>)
      %dma_wait3A_34 = arith.constant 104 : i32
      %dma_wait3A_35 = tpu.memref_slice %arg2[%mul3A_2, %dma_wait3A_34] : memref<4096x200xi32, #tpu.memory_space<hbm>> -> memref<128x96xi32, #tpu.memory_space<hbm>>
      %dma_wait3A_36 = arith.constant 104 : i32
      %dma_wait3A_37 = tpu.memref_slice %arg2[%mul3A_2, %dma_wait3A_36] : memref<4096x200xi32, #tpu.memory_space<hbm>> -> memref<128x96xi32, #tpu.memory_space<hbm>>
      tpu.wait_dma2 semaphore(%run_scoped3A : memref<!tpu.dma_semaphore, #tpu.memory_space<semaphore_mem>>) src(%dma_wait3A_37 : memref<128x96xi32, #tpu.memory_space<hbm>>) dst(%arg6 : memref<128x96xi32, #tpu.memory_space<vmem>>)
      tpu.yield
    }) : () -> ()
    "tpu.region"() ({
      %run_scoped3A = tpu.sem_alloc : memref<!tpu.dma_semaphore, #tpu.memory_space<semaphore_mem>>
      %dma_start3A_30 = arith.constant 104 : i32
      %dma_start3A_31 = arith.constant 0 : i32
      %dma_start3A_32 = tpu.memref_slice %arg4[%dma_start3A_30, %dma_start3A_31] : memref<200x64xf32, #tpu.memory_space<hbm>> -> memref<96x64xf32, #tpu.memory_space<hbm>>
      %dma_start3A_33 = arith.constant 104 : i32
      %dma_start3A_34 = arith.constant 0 : i32
      %dma_start3A_35 = tpu.memref_slice %arg4[%dma_start3A_33, %dma_start3A_34] : memref<200x64xf32, #tpu.memory_space<hbm>> -> memref<96x64xf32, #tpu.memory_space<hbm>>
      tpu.enqueue_dma source(%dma_start3A_35 : memref<96x64xf32, #tpu.memory_space<hbm>>) target(%arg7 : memref<96x64xf32, #tpu.memory_space<vmem>>) target_semaphore(%run_scoped3A : memref<!tpu.dma_semaphore, #tpu.memory_space<semaphore_mem>>)
      %dma_wait3A_36 = arith.constant 104 : i32
      %dma_wait3A_37 = arith.constant 0 : i32
      %dma_wait3A_38 = tpu.memref_slice %arg4[%dma_wait3A_36, %dma_wait3A_37] : memref<200x64xf32, #tpu.memory_space<hbm>> -> memref<96x64xf32, #tpu.memory_space<hbm>>
      %dma_wait3A_39 = arith.constant 104 : i32
      %dma_wait3A_40 = arith.constant 0 : i32
      %dma_wait3A_41 = tpu.memref_slice %arg4[%dma_wait3A_39, %dma_wait3A_40] : memref<200x64xf32, #tpu.memory_space<hbm>> -> memref<96x64xf32, #tpu.memory_space<hbm>>
      tpu.wait_dma2 semaphore(%run_scoped3A : memref<!tpu.dma_semaphore, #tpu.memory_space<semaphore_mem>>) src(%dma_wait3A_41 : memref<96x64xf32, #tpu.memory_space<hbm>>) dst(%arg7 : memref<96x64xf32, #tpu.memory_space<vmem>>)
      tpu.yield
    }) : () -> ()
    %dma_start3A = arith.constant 0 : i32
    %dma_start3A_3 = arith.constant 0 : i32
    %dma_start3A_4 = tpu.memref_slice %arg6[%dma_start3A, %dma_start3A_3] : memref<128x96xi32, #tpu.memory_space<vmem>> -> memref<1x96xi32, #tpu.memory_space<vmem>>
    %dma_start3A_5 = tpu.memref_squeeze %dma_start3A_4 : memref<1x96xi32, #tpu.memory_space<vmem>> -> memref<96xi32, #tpu.memory_space<vmem>>
    %dma_start3A_6 = arith.constant 0 : i32
    %dma_start3A_7 = arith.constant 0 : i32
    %dma_start3A_8 = tpu.memref_slice %arg3[%dma_start3A_6, %dma_start3A_7] : memref<100000x64xf32, #tpu.memory_space<hbm>> -> memref<100000x64xf32, #tpu.memory_space<hbm>>
    tpu.enqueue_indirect_dma source(%dma_start3A_8 : memref<100000x64xf32, #tpu.memory_space<hbm>>) target(%arg8 : memref<96x64xf32, #tpu.memory_space<vmem>>) offsets(%dma_start3A_5 : memref<96xi32, #tpu.memory_space<vmem>>) semaphore(%arg12 : memref<!tpu.dma_semaphore, #tpu.memory_space<semaphore_mem>>)
    %scan3A = arith.constant 0 : i32
    %scan3A_9 = arith.constant 64 : i32
    %scan3A_10 = arith.addi %scan3A, %scan3A_9 : i32
    %scan3A_11 = arith.constant 1 : i32
    scf.for %scan3A_30 = %scan3A to %scan3A_10 step %scan3A_11  : i32 {
      %mul3A_31 = arith.constant 1 : i32
      %mul3A_32 = arith.muli %scan3A_30, %mul3A_31 : i32
      %add3A_33 = arith.constant 0 : i32
      %add3A_34 = arith.addi %add3A_33, %mul3A_32 : i32
      %mul3A_35 = arith.constant 2 : i32
      %mul3A_36 = arith.muli %add3A_34, %mul3A_35 : i32
      %add3A_37 = arith.constant 0 : i32
      %add3A_38 = arith.addi %mul3A_36, %add3A_37 : i32
      %add3A_39 = arith.constant 1 : i32
      %add3A_40 = arith.addi %add3A_38, %add3A_39 : i32
      %lt3A = arith.constant 128 : i32
      %lt3A_41 = arith.cmpi slt, %add3A_40, %lt3A : i32
      %convert_element_type3A = arith.extui %lt3A_41 : i1 to i32
      %cond3A = arith.constant 0 : i32
      %cond3A_42 = arith.cmpi ne, %convert_element_type3A, %cond3A : i32
      scf.if %cond3A_42 {
        %add3A_98 = arith.constant 1 : i32
        %add3A_99 = arith.addi %add3A_38, %add3A_98 : i32
        %dma_start3A_100 = arith.constant 0 : i32
        %dma_start3A_101 = tpu.memref_slice %arg6[%add3A_99, %dma_start3A_100] : memref<128x96xi32, #tpu.memory_space<vmem>> -> memref<1x96xi32, #tpu.memory_space<vmem>>
        %dma_start3A_102 = tpu.memref_squeeze %dma_start3A_101 : memref<1x96xi32, #tpu.memory_space<vmem>> -> memref<96xi32, #tpu.memory_space<vmem>>
        %dma_start3A_103 = arith.constant 0 : i32
        %dma_start3A_104 = arith.constant 0 : i32
        %dma_start3A_105 = tpu.memref_slice %arg3[%dma_start3A_103, %dma_start3A_104] : memref<100000x64xf32, #tpu.memory_space<hbm>> -> memref<100000x64xf32, #tpu.memory_space<hbm>>
        tpu.enqueue_indirect_dma source(%dma_start3A_105 : memref<100000x64xf32, #tpu.memory_space<hbm>>) target(%arg9 : memref<96x64xf32, #tpu.memory_space<vmem>>) offsets(%dma_start3A_102 : memref<96xi32, #tpu.memory_space<vmem>>) semaphore(%arg13 : memref<!tpu.dma_semaphore, #tpu.memory_space<semaphore_mem>>)
      } else {
      }
      %dma_wait3A_43 = arith.constant 0 : i32
      %dma_wait3A_44 = arith.constant 0 : i32
      %dma_wait3A_45 = tpu.memref_slice %arg3[%dma_wait3A_43, %dma_wait3A_44] : memref<100000x64xf32, #tpu.memory_space<hbm>> -> memref<96x64xf32, #tpu.memory_space<hbm>>
      %dma_wait3A_46 = arith.constant 0 : i32
      %dma_wait3A_47 = arith.constant 0 : i32
      %dma_wait3A_48 = tpu.memref_slice %arg3[%dma_wait3A_46, %dma_wait3A_47] : memref<100000x64xf32, #tpu.memory_space<hbm>> -> memref<96x64xf32, #tpu.memory_space<hbm>>
      tpu.wait_dma2 semaphore(%arg12 : memref<!tpu.dma_semaphore, #tpu.memory_space<semaphore_mem>>) src(%dma_wait3A_48 : memref<96x64xf32, #tpu.memory_space<hbm>>) dst(%arg8 : memref<96x64xf32, #tpu.memory_space<vmem>>)
      %ge3A = arith.constant 2 : i32
      %ge3A_49 = arith.cmpi sge, %add3A_38, %ge3A : i32
      %convert_element_type3A_50 = arith.extui %ge3A_49 : i1 to i32
      %cond3A_51 = arith.constant 0 : i32
      %cond3A_52 = arith.cmpi ne, %convert_element_type3A_50, %cond3A_51 : i32
      scf.if %cond3A_52 {
        %dma_wait3A_98 = arith.constant 0 : i32
        %dma_wait3A_99 = arith.constant 0 : i32
        %dma_wait3A_100 = arith.constant 0 : i32
        %dma_wait3A_101 = tpu.memref_slice %arg5[%dma_wait3A_99, %dma_wait3A_98, %dma_wait3A_100] : memref<48x4096x128xf32, #tpu.memory_space<hbm>> -> memref<48x1x128xf32, #tpu.memory_space<hbm>>
        %dma_wait3A_102 = tpu.memref_squeeze %dma_wait3A_101 : memref<48x1x128xf32, #tpu.memory_space<hbm>> -> memref<48x128xf32, #tpu.memory_space<hbm>>
        %dma_wait3A_103 = arith.constant 0 : i32
        %dma_wait3A_104 = arith.constant 0 : i32
        %dma_wait3A_105 = tpu.memref_slice %arg5[%dma_wait3A_103, %dma_wait3A_98, %dma_wait3A_104] : memref<48x4096x128xf32, #tpu.memory_space<hbm>> -> memref<48x1x128xf32, #tpu.memory_space<hbm>>
        %dma_wait3A_106 = tpu.memref_squeeze %dma_wait3A_105 : memref<48x1x128xf32, #tpu.memory_space<hbm>> -> memref<48x128xf32, #tpu.memory_space<hbm>>
        tpu.wait_dma2 semaphore(%arg14 : memref<!tpu.dma_semaphore, #tpu.memory_space<semaphore_mem>>) src(%arg10 : memref<48x128xf32, #tpu.memory_space<vmem>>) dst(%dma_wait3A_106 : memref<48x128xf32, #tpu.memory_space<hbm>>)
      } else {
      }
      %parallel_loop3A = arith.constant 0 : i32
      %parallel_loop3A_53 = arith.constant 48 : i32
      %parallel_loop3A_54 = arith.constant 1 : i32
      scf.for %parallel_loop3A_98 = %parallel_loop3A to %parallel_loop3A_53 step %parallel_loop3A_54  : i32 {
        %parallel_loop3A_99 = arith.constant 2 : i32
        %parallel_loop3A_100 = arith.muli %parallel_loop3A_98, %parallel_loop3A_99 : i32
        %parallel_loop3A_101 = arith.constant 0 : i32
        %parallel_loop3A_102 = arith.addi %parallel_loop3A_100, %parallel_loop3A_101 : i32
        %parallel_loop3A_103 = arith.index_cast %parallel_loop3A_102 : i32 to index
        %parallel_loop3A_104 = arith.constant 0 : index
        %parallel_loop3A_105 = tpu.vector_load %arg8[%parallel_loop3A_103, %parallel_loop3A_104] {strides = array<i32>} : memref<96x64xf32, #tpu.memory_space<vmem>>, vector<1x16xf32>,
        %parallel_loop3A_106 = vector.shape_cast %parallel_loop3A_105 : vector<1x16xf32> to vector<16xf32>
        %parallel_loop3A_107 = arith.constant 2 : i32
        %parallel_loop3A_108 = arith.muli %parallel_loop3A_98, %parallel_loop3A_107 : i32
        %parallel_loop3A_109 = arith.constant 0 : i32
        %parallel_loop3A_110 = arith.addi %parallel_loop3A_108, %parallel_loop3A_109 : i32
        %parallel_loop3A_111 = arith.index_cast %parallel_loop3A_110 : i32 to index
        %parallel_loop3A_112 = arith.constant 0 : index
        %parallel_loop3A_113 = tpu.vector_load %arg7[%parallel_loop3A_111, %parallel_loop3A_112] {strides = array<i32>} : memref<96x64xf32, #tpu.memory_space<vmem>>, vector<1x16xf32>,
        %parallel_loop3A_114 = vector.shape_cast %parallel_loop3A_113 : vector<1x16xf32> to vector<16xf32>
        %parallel_loop3A_115 = arith.addf %parallel_loop3A_106, %parallel_loop3A_114 : vector<16xf32>
        %parallel_loop3A_116 = arith.index_cast %parallel_loop3A_98 : i32 to index
        %parallel_loop3A_117 = arith.constant 0 : index
        %parallel_loop3A_118 = tpu.vector_load %arg10[%parallel_loop3A_116, %parallel_loop3A_117] {strides = array<i32>} : memref<48x128xf32, #tpu.memory_space<vmem>>, vector<1x16xf32>,
        %parallel_loop3A_119 = vector.shape_cast %parallel_loop3A_118 : vector<1x16xf32> to vector<16xf32>
        %parallel_loop3A_120 = vector.shape_cast %parallel_loop3A_115 : vector<16xf32> to vector<1x16xf32>
        tpu.vector_store %arg10[%parallel_loop3A_116, %parallel_loop3A_117], %parallel_loop3A_120 {strides = array<i32>} : memref<48x128xf32, #tpu.memory_space<vmem>>, vector<1x16xf32>,
        %parallel_loop3A_121 = arith.constant 2 : i32
        %parallel_loop3A_122 = arith.muli %parallel_loop3A_98, %parallel_loop3A_121 : i32
        %parallel_loop3A_123 = arith.constant 0 : i32
        %parallel_loop3A_124 = arith.addi %parallel_loop3A_122, %parallel_loop3A_123 : i32
        %parallel_loop3A_125 = arith.index_cast %parallel_loop3A_124 : i32 to index
        %parallel_loop3A_126 = arith.constant 16 : index
        %parallel_loop3A_127 = tpu.vector_load %arg8[%parallel_loop3A_125, %parallel_loop3A_126] {strides = array<i32>} : memref<96x64xf32, #tpu.memory_space<vmem>>, vector<1x16xf32>,
        %parallel_loop3A_128 = vector.shape_cast %parallel_loop3A_127 : vector<1x16xf32> to vector<16xf32>
        %parallel_loop3A_129 = arith.constant 2 : i32
        %parallel_loop3A_130 = arith.muli %parallel_loop3A_98, %parallel_loop3A_129 : i32
        %parallel_loop3A_131 = arith.constant 0 : i32
        %parallel_loop3A_132 = arith.addi %parallel_loop3A_130, %parallel_loop3A_131 : i32
        %parallel_loop3A_133 = arith.index_cast %parallel_loop3A_132 : i32 to index
        %parallel_loop3A_134 = arith.constant 16 : index
        %parallel_loop3A_135 = tpu.vector_load %arg7[%parallel_loop3A_133, %parallel_loop3A_134] {strides = array<i32>} : memref<96x64xf32, #tpu.memory_space<vmem>>, vector<1x16xf32>,
        %parallel_loop3A_136 = vector.shape_cast %parallel_loop3A_135 : vector<1x16xf32> to vector<16xf32>
        %parallel_loop3A_137 = arith.addf %parallel_loop3A_128, %parallel_loop3A_136 : vector<16xf32>
        %parallel_loop3A_138 = arith.index_cast %parallel_loop3A_98 : i32 to index
        %parallel_loop3A_139 = arith.constant 16 : index
        %parallel_loop3A_140 = tpu.vector_load %arg10[%parallel_loop3A_138, %parallel_loop3A_139] {strides = array<i32>} : memref<48x128xf32, #tpu.memory_space<vmem>>, vector<1x16xf32>,
        %parallel_loop3A_141 = vector.shape_cast %parallel_loop3A_140 : vector<1x16xf32> to vector<16xf32>
        %parallel_loop3A_142 = vector.shape_cast %parallel_loop3A_137 : vector<16xf32> to vector<1x16xf32>
        tpu.vector_store %arg10[%parallel_loop3A_138, %parallel_loop3A_139], %parallel_loop3A_142 {strides = array<i32>} : memref<48x128xf32, #tpu.memory_space<vmem>>, vector<1x16xf32>,
        %parallel_loop3A_143 = arith.constant 2 : i32
        %parallel_loop3A_144 = arith.muli %parallel_loop3A_98, %parallel_loop3A_143 : i32
        %parallel_loop3A_145 = arith.constant 0 : i32
        %parallel_loop3A_146 = arith.addi %parallel_loop3A_144, %parallel_loop3A_145 : i32
        %parallel_loop3A_147 = arith.index_cast %parallel_loop3A_146 : i32 to index
        %parallel_loop3A_148 = arith.constant 32 : index
        %parallel_loop3A_149 = tpu.vector_load %arg8[%parallel_loop3A_147, %parallel_loop3A_148] {strides = array<i32>} : memref<96x64xf32, #tpu.memory_space<vmem>>, vector<1x16xf32>,
        %parallel_loop3A_150 = vector.shape_cast %parallel_loop3A_149 : vector<1x16xf32> to vector<16xf32>
        %parallel_loop3A_151 = arith.constant 2 : i32
        %parallel_loop3A_152 = arith.muli %parallel_loop3A_98, %parallel_loop3A_151 : i32
        %parallel_loop3A_153 = arith.constant 0 : i32
        %parallel_loop3A_154 = arith.addi %parallel_loop3A_152, %parallel_loop3A_153 : i32
        %parallel_loop3A_155 = arith.index_cast %parallel_loop3A_154 : i32 to index
        %parallel_loop3A_156 = arith.constant 32 : index
        %parallel_loop3A_157 = tpu.vector_load %arg7[%parallel_loop3A_155, %parallel_loop3A_156] {strides = array<i32>} : memref<96x64xf32, #tpu.memory_space<vmem>>, vector<1x16xf32>,
        %parallel_loop3A_158 = vector.shape_cast %parallel_loop3A_157 : vector<1x16xf32> to vector<16xf32>
        %parallel_loop3A_159 = arith.addf %parallel_loop3A_150, %parallel_loop3A_158 : vector<16xf32>
        %parallel_loop3A_160 = arith.index_cast %parallel_loop3A_98 : i32 to index
        %parallel_loop3A_161 = arith.constant 32 : index
        %parallel_loop3A_162 = tpu.vector_load %arg10[%parallel_loop3A_160, %parallel_loop3A_161] {strides = array<i32>} : memref<48x128xf32, #tpu.memory_space<vmem>>, vector<1x16xf32>,
        %parallel_loop3A_163 = vector.shape_cast %parallel_loop3A_162 : vector<1x16xf32> to vector<16xf32>
        %parallel_loop3A_164 = vector.shape_cast %parallel_loop3A_159 : vector<16xf32> to vector<1x16xf32>
        tpu.vector_store %arg10[%parallel_loop3A_160, %parallel_loop3A_161], %parallel_loop3A_164 {strides = array<i32>} : memref<48x128xf32, #tpu.memory_space<vmem>>, vector<1x16xf32>,
        %parallel_loop3A_165 = arith.constant 2 : i32
        %parallel_loop3A_166 = arith.muli %parallel_loop3A_98, %parallel_loop3A_165 : i32
        %parallel_loop3A_167 = arith.constant 0 : i32
        %parallel_loop3A_168 = arith.addi %parallel_loop3A_166, %parallel_loop3A_167 : i32
        %parallel_loop3A_169 = arith.index_cast %parallel_loop3A_168 : i32 to index
        %parallel_loop3A_170 = arith.constant 48 : index
        %parallel_loop3A_171 = tpu.vector_load %arg8[%parallel_loop3A_169, %parallel_loop3A_170] {strides = array<i32>} : memref<96x64xf32, #tpu.memory_space<vmem>>, vector<1x16xf32>,
        %parallel_loop3A_172 = vector.shape_cast %parallel_loop3A_171 : vector<1x16xf32> to vector<16xf32>
        %parallel_loop3A_173 = arith.constant 2 : i32
        %parallel_loop3A_174 = arith.muli %parallel_loop3A_98, %parallel_loop3A_173 : i32
        %parallel_loop3A_175 = arith.constant 0 : i32
        %parallel_loop3A_176 = arith.addi %parallel_loop3A_174, %parallel_loop3A_175 : i32
        %parallel_loop3A_177 = arith.index_cast %parallel_loop3A_176 : i32 to index
        %parallel_loop3A_178 = arith.constant 48 : index
        %parallel_loop3A_179 = tpu.vector_load %arg7[%parallel_loop3A_177, %parallel_loop3A_178] {strides = array<i32>} : memref<96x64xf32, #tpu.memory_space<vmem>>, vector<1x16xf32>,
        %parallel_loop3A_180 = vector.shape_cast %parallel_loop3A_179 : vector<1x16xf32> to vector<16xf32>
        %parallel_loop3A_181 = arith.addf %parallel_loop3A_172, %parallel_loop3A_180 : vector<16xf32>
        %parallel_loop3A_182 = arith.index_cast %parallel_loop3A_98 : i32 to index
        %parallel_loop3A_183 = arith.constant 48 : index
        %parallel_loop3A_184 = tpu.vector_load %arg10[%parallel_loop3A_182, %parallel_loop3A_183] {strides = array<i32>} : memref<48x128xf32, #tpu.memory_space<vmem>>, vector<1x16xf32>,
        %parallel_loop3A_185 = vector.shape_cast %parallel_loop3A_184 : vector<1x16xf32> to vector<16xf32>
        %parallel_loop3A_186 = vector.shape_cast %parallel_loop3A_181 : vector<16xf32> to vector<1x16xf32>
        tpu.vector_store %arg10[%parallel_loop3A_182, %parallel_loop3A_183], %parallel_loop3A_186 {strides = array<i32>} : memref<48x128xf32, #tpu.memory_space<vmem>>, vector<1x16xf32>,
        %parallel_loop3A_187 = arith.constant 2 : i32
        %parallel_loop3A_188 = arith.muli %parallel_loop3A_98, %parallel_loop3A_187 : i32
        %parallel_loop3A_189 = arith.constant 1 : i32
        %parallel_loop3A_190 = arith.addi %parallel_loop3A_188, %parallel_loop3A_189 : i32
        %parallel_loop3A_191 = arith.index_cast %parallel_loop3A_190 : i32 to index
        %parallel_loop3A_192 = arith.constant 0 : index
        %parallel_loop3A_193 = tpu.vector_load %arg8[%parallel_loop3A_191, %parallel_loop3A_192] {strides = array<i32>} : memref<96x64xf32, #tpu.memory_space<vmem>>, vector<1x16xf32>,
        %parallel_loop3A_194 = vector.shape_cast %parallel_loop3A_193 : vector<1x16xf32> to vector<16xf32>
        %parallel_loop3A_195 = arith.constant 2 : i32
        %parallel_loop3A_196 = arith.muli %parallel_loop3A_98, %parallel_loop3A_195 : i32
        %parallel_loop3A_197 = arith.constant 1 : i32
        %parallel_loop3A_198 = arith.addi %parallel_loop3A_196, %parallel_loop3A_197 : i32
        %parallel_loop3A_199 = arith.index_cast %parallel_loop3A_198 : i32 to index
        %parallel_loop3A_200 = arith.constant 0 : index
        %parallel_loop3A_201 = tpu.vector_load %arg7[%parallel_loop3A_199, %parallel_loop3A_200] {strides = array<i32>} : memref<96x64xf32, #tpu.memory_space<vmem>>, vector<1x16xf32>,
        %parallel_loop3A_202 = vector.shape_cast %parallel_loop3A_201 : vector<1x16xf32> to vector<16xf32>
        %parallel_loop3A_203 = arith.addf %parallel_loop3A_194, %parallel_loop3A_202 : vector<16xf32>
        %parallel_loop3A_204 = arith.index_cast %parallel_loop3A_98 : i32 to index
        %parallel_loop3A_205 = arith.constant 64 : index
        %parallel_loop3A_206 = tpu.vector_load %arg10[%parallel_loop3A_204, %parallel_loop3A_205] {strides = array<i32>} : memref<48x128xf32, #tpu.memory_space<vmem>>, vector<1x16xf32>,
        %parallel_loop3A_207 = vector.shape_cast %parallel_loop3A_206 : vector<1x16xf32> to vector<16xf32>
        %parallel_loop3A_208 = vector.shape_cast %parallel_loop3A_203 : vector<16xf32> to vector<1x16xf32>
        tpu.vector_store %arg10[%parallel_loop3A_204, %parallel_loop3A_205], %parallel_loop3A_208 {strides = array<i32>} : memref<48x128xf32, #tpu.memory_space<vmem>>, vector<1x16xf32>,
        %parallel_loop3A_209 = arith.constant 2 : i32
        %parallel_loop3A_210 = arith.muli %parallel_loop3A_98, %parallel_loop3A_209 : i32
        %parallel_loop3A_211 = arith.constant 1 : i32
        %parallel_loop3A_212 = arith.addi %parallel_loop3A_210, %parallel_loop3A_211 : i32
        %parallel_loop3A_213 = arith.index_cast %parallel_loop3A_212 : i32 to index
        %parallel_loop3A_214 = arith.constant 16 : index
        %parallel_loop3A_215 = tpu.vector_load %arg8[%parallel_loop3A_213, %parallel_loop3A_214] {strides = array<i32>} : memref<96x64xf32, #tpu.memory_space<vmem>>, vector<1x16xf32>,
        %parallel_loop3A_216 = vector.shape_cast %parallel_loop3A_215 : vector<1x16xf32> to vector<16xf32>
        %parallel_loop3A_217 = arith.constant 2 : i32
        %parallel_loop3A_218 = arith.muli %parallel_loop3A_98, %parallel_loop3A_217 : i32
        %parallel_loop3A_219 = arith.constant 1 : i32
        %parallel_loop3A_220 = arith.addi %parallel_loop3A_218, %parallel_loop3A_219 : i32
        %parallel_loop3A_221 = arith.index_cast %parallel_loop3A_220 : i32 to index
        %parallel_loop3A_222 = arith.constant 16 : index
        %parallel_loop3A_223 = tpu.vector_load %arg7[%parallel_loop3A_221, %parallel_loop3A_222] {strides = array<i32>} : memref<96x64xf32, #tpu.memory_space<vmem>>, vector<1x16xf32>,
        %parallel_loop3A_224 = vector.shape_cast %parallel_loop3A_223 : vector<1x16xf32> to vector<16xf32>
        %parallel_loop3A_225 = arith.addf %parallel_loop3A_216, %parallel_loop3A_224 : vector<16xf32>
        %parallel_loop3A_226 = arith.index_cast %parallel_loop3A_98 : i32 to index
        %parallel_loop3A_227 = arith.constant 80 : index
        %parallel_loop3A_228 = tpu.vector_load %arg10[%parallel_loop3A_226, %parallel_loop3A_227] {strides = array<i32>} : memref<48x128xf32, #tpu.memory_space<vmem>>, vector<1x16xf32>,
        %parallel_loop3A_229 = vector.shape_cast %parallel_loop3A_228 : vector<1x16xf32> to vector<16xf32>
        %parallel_loop3A_230 = vector.shape_cast %parallel_loop3A_225 : vector<16xf32> to vector<1x16xf32>
        tpu.vector_store %arg10[%parallel_loop3A_226, %parallel_loop3A_227], %parallel_loop3A_230 {strides = array<i32>} : memref<48x128xf32, #tpu.memory_space<vmem>>, vector<1x16xf32>,
        %parallel_loop3A_231 = arith.constant 2 : i32
        %parallel_loop3A_232 = arith.muli %parallel_loop3A_98, %parallel_loop3A_231 : i32
        %parallel_loop3A_233 = arith.constant 1 : i32
        %parallel_loop3A_234 = arith.addi %parallel_loop3A_232, %parallel_loop3A_233 : i32
        %parallel_loop3A_235 = arith.index_cast %parallel_loop3A_234 : i32 to index
        %parallel_loop3A_236 = arith.constant 32 : index
        %parallel_loop3A_237 = tpu.vector_load %arg8[%parallel_loop3A_235, %parallel_loop3A_236] {strides = array<i32>} : memref<96x64xf32, #tpu.memory_space<vmem>>, vector<1x16xf32>,
        %parallel_loop3A_238 = vector.shape_cast %parallel_loop3A_237 : vector<1x16xf32> to vector<16xf32>
        %parallel_loop3A_239 = arith.constant 2 : i32
        %parallel_loop3A_240 = arith.muli %parallel_loop3A_98, %parallel_loop3A_239 : i32
        %parallel_loop3A_241 = arith.constant 1 : i32
        %parallel_loop3A_242 = arith.addi %parallel_loop3A_240, %parallel_loop3A_241 : i32
        %parallel_loop3A_243 = arith.index_cast %parallel_loop3A_242 : i32 to index
        %parallel_loop3A_244 = arith.constant 32 : index
        %parallel_loop3A_245 = tpu.vector_load %arg7[%parallel_loop3A_243, %parallel_loop3A_244] {strides = array<i32>} : memref<96x64xf32, #tpu.memory_space<vmem>>, vector<1x16xf32>,
        %parallel_loop3A_246 = vector.shape_cast %parallel_loop3A_245 : vector<1x16xf32> to vector<16xf32>
        %parallel_loop3A_247 = arith.addf %parallel_loop3A_238, %parallel_loop3A_246 : vector<16xf32>
        %parallel_loop3A_248 = arith.index_cast %parallel_loop3A_98 : i32 to index
        %parallel_loop3A_249 = arith.constant 96 : index
        %parallel_loop3A_250 = tpu.vector_load %arg10[%parallel_loop3A_248, %parallel_loop3A_249] {strides = array<i32>} : memref<48x128xf32, #tpu.memory_space<vmem>>, vector<1x16xf32>,
        %parallel_loop3A_251 = vector.shape_cast %parallel_loop3A_250 : vector<1x16xf32> to vector<16xf32>
        %parallel_loop3A_252 = vector.shape_cast %parallel_loop3A_247 : vector<16xf32> to vector<1x16xf32>
        tpu.vector_store %arg10[%parallel_loop3A_248, %parallel_loop3A_249], %parallel_loop3A_252 {strides = array<i32>} : memref<48x128xf32, #tpu.memory_space<vmem>>, vector<1x16xf32>,
        %parallel_loop3A_253 = arith.constant 2 : i32
        %parallel_loop3A_254 = arith.muli %parallel_loop3A_98, %parallel_loop3A_253 : i32
        %parallel_loop3A_255 = arith.constant 1 : i32
        %parallel_loop3A_256 = arith.addi %parallel_loop3A_254, %parallel_loop3A_255 : i32
        %parallel_loop3A_257 = arith.index_cast %parallel_loop3A_256 : i32 to index
        %parallel_loop3A_258 = arith.constant 48 : index
        %parallel_loop3A_259 = tpu.vector_load %arg8[%parallel_loop3A_257, %parallel_loop3A_258] {strides = array<i32>} : memref<96x64xf32, #tpu.memory_space<vmem>>, vector<1x16xf32>,
        %parallel_loop3A_260 = vector.shape_cast %parallel_loop3A_259 : vector<1x16xf32> to vector<16xf32>
        %parallel_loop3A_261 = arith.constant 2 : i32
        %parallel_loop3A_262 = arith.muli %parallel_loop3A_98, %parallel_loop3A_261 : i32
        %parallel_loop3A_263 = arith.constant 1 : i32
        %parallel_loop3A_264 = arith.addi %parallel_loop3A_262, %parallel_loop3A_263 : i32
        %parallel_loop3A_265 = arith.index_cast %parallel_loop3A_264 : i32 to index
        %parallel_loop3A_266 = arith.constant 48 : index
        %parallel_loop3A_267 = tpu.vector_load %arg7[%parallel_loop3A_265, %parallel_loop3A_266] {strides = array<i32>} : memref<96x64xf32, #tpu.memory_space<vmem>>, vector<1x16xf32>,
        %parallel_loop3A_268 = vector.shape_cast %parallel_loop3A_267 : vector<1x16xf32> to vector<16xf32>
        %parallel_loop3A_269 = arith.addf %parallel_loop3A_260, %parallel_loop3A_268 : vector<16xf32>
        %parallel_loop3A_270 = arith.index_cast %parallel_loop3A_98 : i32 to index
        %parallel_loop3A_271 = arith.constant 112 : index
        %parallel_loop3A_272 = tpu.vector_load %arg10[%parallel_loop3A_270, %parallel_loop3A_271] {strides = array<i32>} : memref<48x128xf32, #tpu.memory_space<vmem>>, vector<1x16xf32>,
        %parallel_loop3A_273 = vector.shape_cast %parallel_loop3A_272 : vector<1x16xf32> to vector<16xf32>
        %parallel_loop3A_274 = vector.shape_cast %parallel_loop3A_269 : vector<16xf32> to vector<1x16xf32>
        tpu.vector_store %arg10[%parallel_loop3A_270, %parallel_loop3A_271], %parallel_loop3A_274 {strides = array<i32>} : memref<48x128xf32, #tpu.memory_space<vmem>>, vector<1x16xf32>,
      } {sc.loop_unroll_factor = 4 : i64, sc.parallel_access}
      %add3A_55 = arith.addi %mul3A_2, %add3A_38 : i32
      %dma_start3A_56 = arith.constant 0 : i32
      %dma_start3A_57 = arith.constant 0 : i32
      %dma_start3A_58 = tpu.memref_slice %arg5[%dma_start3A_56, %add3A_55, %dma_start3A_57] : memref<48x4096x128xf32, #tpu.memory_space<hbm>> -> memref<48x1x128xf32, #tpu.memory_space<hbm>>
      %dma_start3A_59 = tpu.memref_squeeze %dma_start3A_58 : memref<48x1x128xf32, #tpu.memory_space<hbm>> -> memref<48x128xf32, #tpu.memory_space<hbm>>
      %dma_start3A_60 = arith.constant 0 : i32
      %dma_start3A_61 = arith.constant 0 : i32
      %dma_start3A_62 = tpu.memref_slice %arg5[%dma_start3A_60, %add3A_55, %dma_start3A_61] : memref<48x4096x128xf32, #tpu.memory_space<hbm>> -> memref<48x1x128xf32, #tpu.memory_space<hbm>>
      %dma_start3A_63 = tpu.memref_squeeze %dma_start3A_62 : memref<48x1x128xf32, #tpu.memory_space<hbm>> -> memref<48x128xf32, #tpu.memory_space<hbm>>
      tpu.enqueue_dma source(%arg10 : memref<48x128xf32, #tpu.memory_space<vmem>>) target(%dma_start3A_63 : memref<48x128xf32, #tpu.memory_space<hbm>>) target_semaphore(%arg14 : memref<!tpu.dma_semaphore, #tpu.memory_space<semaphore_mem>>)
      %mul3A_64 = arith.constant 2 : i32
      %mul3A_65 = arith.muli %add3A_34, %mul3A_64 : i32
      %add3A_66 = arith.constant 1 : i32
      %add3A_67 = arith.addi %mul3A_65, %add3A_66 : i32
      %add3A_68 = arith.constant 1 : i32
      %add3A_69 = arith.addi %add3A_67, %add3A_68 : i32
      %lt3A_70 = arith.constant 128 : i32
      %lt3A_71 = arith.cmpi slt, %add3A_69, %lt3A_70 : i32
      %convert_element_type3A_72 = arith.extui %lt3A_71 : i1 to i32
      %cond3A_73 = arith.constant 0 : i32
      %cond3A_74 = arith.cmpi ne, %convert_element_type3A_72, %cond3A_73 : i32
      scf.if %cond3A_74 {
        %add3A_98 = arith.constant 1 : i32
        %add3A_99 = arith.addi %add3A_67, %add3A_98 : i32
        %dma_start3A_100 = arith.constant 0 : i32
        %dma_start3A_101 = tpu.memref_slice %arg6[%add3A_99, %dma_start3A_100] : memref<128x96xi32, #tpu.memory_space<vmem>> -> memref<1x96xi32, #tpu.memory_space<vmem>>
        %dma_start3A_102 = tpu.memref_squeeze %dma_start3A_101 : memref<1x96xi32, #tpu.memory_space<vmem>> -> memref<96xi32, #tpu.memory_space<vmem>>
        %dma_start3A_103 = arith.constant 0 : i32
        %dma_start3A_104 = arith.constant 0 : i32
        %dma_start3A_105 = tpu.memref_slice %arg3[%dma_start3A_103, %dma_start3A_104] : memref<100000x64xf32, #tpu.memory_space<hbm>> -> memref<100000x64xf32, #tpu.memory_space<hbm>>
        tpu.enqueue_indirect_dma source(%dma_start3A_105 : memref<100000x64xf32, #tpu.memory_space<hbm>>) target(%arg8 : memref<96x64xf32, #tpu.memory_space<vmem>>) offsets(%dma_start3A_102 : memref<96xi32, #tpu.memory_space<vmem>>) semaphore(%arg12 : memref<!tpu.dma_semaphore, #tpu.memory_space<semaphore_mem>>)
      } else {
      }
      %dma_wait3A_75 = arith.constant 0 : i32
      %dma_wait3A_76 = arith.constant 0 : i32
      %dma_wait3A_77 = tpu.memref_slice %arg3[%dma_wait3A_75, %dma_wait3A_76] : memref<100000x64xf32, #tpu.memory_space<hbm>> -> memref<96x64xf32, #tpu.memory_space<hbm>>
      %dma_wait3A_78 = arith.constant 0 : i32
      %dma_wait3A_79 = arith.constant 0 : i32
      %dma_wait3A_80 = tpu.memref_slice %arg3[%dma_wait3A_78, %dma_wait3A_79] : memref<100000x64xf32, #tpu.memory_space<hbm>> -> memref<96x64xf32, #tpu.memory_space<hbm>>
      tpu.wait_dma2 semaphore(%arg13 : memref<!tpu.dma_semaphore, #tpu.memory_space<semaphore_mem>>) src(%dma_wait3A_80 : memref<96x64xf32, #tpu.memory_space<hbm>>) dst(%arg9 : memref<96x64xf32, #tpu.memory_space<vmem>>)
      %ge3A_81 = arith.constant 2 : i32
      %ge3A_82 = arith.cmpi sge, %add3A_67, %ge3A_81 : i32
      %convert_element_type3A_83 = arith.extui %ge3A_82 : i1 to i32
      %cond3A_84 = arith.constant 0 : i32
      %cond3A_85 = arith.cmpi ne, %convert_element_type3A_83, %cond3A_84 : i32
      scf.if %cond3A_85 {
        %dma_wait3A_98 = arith.constant 0 : i32
        %dma_wait3A_99 = arith.constant 0 : i32
        %dma_wait3A_100 = arith.constant 0 : i32
        %dma_wait3A_101 = tpu.memref_slice %arg5[%dma_wait3A_99, %dma_wait3A_98, %dma_wait3A_100] : memref<48x4096x128xf32, #tpu.memory_space<hbm>> -> memref<48x1x128xf32, #tpu.memory_space<hbm>>
        %dma_wait3A_102 = tpu.memref_squeeze %dma_wait3A_101 : memref<48x1x128xf32, #tpu.memory_space<hbm>> -> memref<48x128xf32, #tpu.memory_space<hbm>>
        %dma_wait3A_103 = arith.constant 0 : i32
        %dma_wait3A_104 = arith.constant 0 : i32
        %dma_wait3A_105 = tpu.memref_slice %arg5[%dma_wait3A_103, %dma_wait3A_98, %dma_wait3A_104] : memref<48x4096x128xf32, #tpu.memory_space<hbm>> -> memref<48x1x128xf32, #tpu.memory_space<hbm>>
        %dma_wait3A_106 = tpu.memref_squeeze %dma_wait3A_105 : memref<48x1x128xf32, #tpu.memory_space<hbm>> -> memref<48x128xf32, #tpu.memory_space<hbm>>
        tpu.wait_dma2 semaphore(%arg15 : memref<!tpu.dma_semaphore, #tpu.memory_space<semaphore_mem>>) src(%arg11 : memref<48x128xf32, #tpu.memory_space<vmem>>) dst(%dma_wait3A_106 : memref<48x128xf32, #tpu.memory_space<hbm>>)
      } else {
      }
      %parallel_loop3A_86 = arith.constant 0 : i32
      %parallel_loop3A_87 = arith.constant 48 : i32
      %parallel_loop3A_88 = arith.constant 1 : i32
      scf.for %parallel_loop3A_98 = %parallel_loop3A_86 to %parallel_loop3A_87 step %parallel_loop3A_88  : i32 {
        %parallel_loop3A_99 = arith.constant 2 : i32
        %parallel_loop3A_100 = arith.muli %parallel_loop3A_98, %parallel_loop3A_99 : i32
        %parallel_loop3A_101 = arith.constant 0 : i32
        %parallel_loop3A_102 = arith.addi %parallel_loop3A_100, %parallel_loop3A_101 : i32
        %parallel_loop3A_103 = arith.index_cast %parallel_loop3A_102 : i32 to index
        %parallel_loop3A_104 = arith.constant 0 : index
        %parallel_loop3A_105 = tpu.vector_load %arg9[%parallel_loop3A_103, %parallel_loop3A_104] {strides = array<i32>} : memref<96x64xf32, #tpu.memory_space<vmem>>, vector<1x16xf32>,
        %parallel_loop3A_106 = vector.shape_cast %parallel_loop3A_105 : vector<1x16xf32> to vector<16xf32>
        %parallel_loop3A_107 = arith.constant 2 : i32
        %parallel_loop3A_108 = arith.muli %parallel_loop3A_98, %parallel_loop3A_107 : i32
        %parallel_loop3A_109 = arith.constant 0 : i32
        %parallel_loop3A_110 = arith.addi %parallel_loop3A_108, %parallel_loop3A_109 : i32
        %parallel_loop3A_111 = arith.index_cast %parallel_loop3A_110 : i32 to index
        %parallel_loop3A_112 = arith.constant 0 : index
        %parallel_loop3A_113 = tpu.vector_load %arg7[%parallel_loop3A_111, %parallel_loop3A_112] {strides = array<i32>} : memref<96x64xf32, #tpu.memory_space<vmem>>, vector<1x16xf32>,
        %parallel_loop3A_114 = vector.shape_cast %parallel_loop3A_113 : vector<1x16xf32> to vector<16xf32>
        %parallel_loop3A_115 = arith.addf %parallel_loop3A_106, %parallel_loop3A_114 : vector<16xf32>
        %parallel_loop3A_116 = arith.index_cast %parallel_loop3A_98 : i32 to index
        %parallel_loop3A_117 = arith.constant 0 : index
        %parallel_loop3A_118 = tpu.vector_load %arg11[%parallel_loop3A_116, %parallel_loop3A_117] {strides = array<i32>} : memref<48x128xf32, #tpu.memory_space<vmem>>, vector<1x16xf32>,
        %parallel_loop3A_119 = vector.shape_cast %parallel_loop3A_118 : vector<1x16xf32> to vector<16xf32>
        %parallel_loop3A_120 = vector.shape_cast %parallel_loop3A_115 : vector<16xf32> to vector<1x16xf32>
        tpu.vector_store %arg11[%parallel_loop3A_116, %parallel_loop3A_117], %parallel_loop3A_120 {strides = array<i32>} : memref<48x128xf32, #tpu.memory_space<vmem>>, vector<1x16xf32>,
        %parallel_loop3A_121 = arith.constant 2 : i32
        %parallel_loop3A_122 = arith.muli %parallel_loop3A_98, %parallel_loop3A_121 : i32
        %parallel_loop3A_123 = arith.constant 0 : i32
        %parallel_loop3A_124 = arith.addi %parallel_loop3A_122, %parallel_loop3A_123 : i32
        %parallel_loop3A_125 = arith.index_cast %parallel_loop3A_124 : i32 to index
        %parallel_loop3A_126 = arith.constant 16 : index
        %parallel_loop3A_127 = tpu.vector_load %arg9[%parallel_loop3A_125, %parallel_loop3A_126] {strides = array<i32>} : memref<96x64xf32, #tpu.memory_space<vmem>>, vector<1x16xf32>,
        %parallel_loop3A_128 = vector.shape_cast %parallel_loop3A_127 : vector<1x16xf32> to vector<16xf32>
        %parallel_loop3A_129 = arith.constant 2 : i32
        %parallel_loop3A_130 = arith.muli %parallel_loop3A_98, %parallel_loop3A_129 : i32
        %parallel_loop3A_131 = arith.constant 0 : i32
        %parallel_loop3A_132 = arith.addi %parallel_loop3A_130, %parallel_loop3A_131 : i32
        %parallel_loop3A_133 = arith.index_cast %parallel_loop3A_132 : i32 to index
        %parallel_loop3A_134 = arith.constant 16 : index
        %parallel_loop3A_135 = tpu.vector_load %arg7[%parallel_loop3A_133, %parallel_loop3A_134] {strides = array<i32>} : memref<96x64xf32, #tpu.memory_space<vmem>>, vector<1x16xf32>,
        %parallel_loop3A_136 = vector.shape_cast %parallel_loop3A_135 : vector<1x16xf32> to vector<16xf32>
        %parallel_loop3A_137 = arith.addf %parallel_loop3A_128, %parallel_loop3A_136 : vector<16xf32>
        %parallel_loop3A_138 = arith.index_cast %parallel_loop3A_98 : i32 to index
        %parallel_loop3A_139 = arith.constant 16 : index
        %parallel_loop3A_140 = tpu.vector_load %arg11[%parallel_loop3A_138, %parallel_loop3A_139] {strides = array<i32>} : memref<48x128xf32, #tpu.memory_space<vmem>>, vector<1x16xf32>,
        %parallel_loop3A_141 = vector.shape_cast %parallel_loop3A_140 : vector<1x16xf32> to vector<16xf32>
        %parallel_loop3A_142 = vector.shape_cast %parallel_loop3A_137 : vector<16xf32> to vector<1x16xf32>
        tpu.vector_store %arg11[%parallel_loop3A_138, %parallel_loop3A_139], %parallel_loop3A_142 {strides = array<i32>} : memref<48x128xf32, #tpu.memory_space<vmem>>, vector<1x16xf32>,
        %parallel_loop3A_143 = arith.constant 2 : i32
        %parallel_loop3A_144 = arith.muli %parallel_loop3A_98, %parallel_loop3A_143 : i32
        %parallel_loop3A_145 = arith.constant 0 : i32
        %parallel_loop3A_146 = arith.addi %parallel_loop3A_144, %parallel_loop3A_145 : i32
        %parallel_loop3A_147 = arith.index_cast %parallel_loop3A_146 : i32 to index
        %parallel_loop3A_148 = arith.constant 32 : index
        %parallel_loop3A_149 = tpu.vector_load %arg9[%parallel_loop3A_147, %parallel_loop3A_148] {strides = array<i32>} : memref<96x64xf32, #tpu.memory_space<vmem>>, vector<1x16xf32>,
        %parallel_loop3A_150 = vector.shape_cast %parallel_loop3A_149 : vector<1x16xf32> to vector<16xf32>
        %parallel_loop3A_151 = arith.constant 2 : i32
        %parallel_loop3A_152 = arith.muli %parallel_loop3A_98, %parallel_loop3A_151 : i32
        %parallel_loop3A_153 = arith.constant 0 : i32
        %parallel_loop3A_154 = arith.addi %parallel_loop3A_152, %parallel_loop3A_153 : i32
        %parallel_loop3A_155 = arith.index_cast %parallel_loop3A_154 : i32 to index
        %parallel_loop3A_156 = arith.constant 32 : index
        %parallel_loop3A_157 = tpu.vector_load %arg7[%parallel_loop3A_155, %parallel_loop3A_156] {strides = array<i32>} : memref<96x64xf32, #tpu.memory_space<vmem>>, vector<1x16xf32>,
        %parallel_loop3A_158 = vector.shape_cast %parallel_loop3A_157 : vector<1x16xf32> to vector<16xf32>
        %parallel_loop3A_159 = arith.addf %parallel_loop3A_150, %parallel_loop3A_158 : vector<16xf32>
        %parallel_loop3A_160 = arith.index_cast %parallel_loop3A_98 : i32 to index
        %parallel_loop3A_161 = arith.constant 32 : index
        %parallel_loop3A_162 = tpu.vector_load %arg11[%parallel_loop3A_160, %parallel_loop3A_161] {strides = array<i32>} : memref<48x128xf32, #tpu.memory_space<vmem>>, vector<1x16xf32>,
        %parallel_loop3A_163 = vector.shape_cast %parallel_loop3A_162 : vector<1x16xf32> to vector<16xf32>
        %parallel_loop3A_164 = vector.shape_cast %parallel_loop3A_159 : vector<16xf32> to vector<1x16xf32>
        tpu.vector_store %arg11[%parallel_loop3A_160, %parallel_loop3A_161], %parallel_loop3A_164 {strides = array<i32>} : memref<48x128xf32, #tpu.memory_space<vmem>>, vector<1x16xf32>,
        %parallel_loop3A_165 = arith.constant 2 : i32
        %parallel_loop3A_166 = arith.muli %parallel_loop3A_98, %parallel_loop3A_165 : i32
        %parallel_loop3A_167 = arith.constant 0 : i32
        %parallel_loop3A_168 = arith.addi %parallel_loop3A_166, %parallel_loop3A_167 : i32
        %parallel_loop3A_169 = arith.index_cast %parallel_loop3A_168 : i32 to index
        %parallel_loop3A_170 = arith.constant 48 : index
        %parallel_loop3A_171 = tpu.vector_load %arg9[%parallel_loop3A_169, %parallel_loop3A_170] {strides = array<i32>} : memref<96x64xf32, #tpu.memory_space<vmem>>, vector<1x16xf32>,
        %parallel_loop3A_172 = vector.shape_cast %parallel_loop3A_171 : vector<1x16xf32> to vector<16xf32>
        %parallel_loop3A_173 = arith.constant 2 : i32
        %parallel_loop3A_174 = arith.muli %parallel_loop3A_98, %parallel_loop3A_173 : i32
        %parallel_loop3A_175 = arith.constant 0 : i32
        %parallel_loop3A_176 = arith.addi %parallel_loop3A_174, %parallel_loop3A_175 : i32
        %parallel_loop3A_177 = arith.index_cast %parallel_loop3A_176 : i32 to index
        %parallel_loop3A_178 = arith.constant 48 : index
        %parallel_loop3A_179 = tpu.vector_load %arg7[%parallel_loop3A_177, %parallel_loop3A_178] {strides = array<i32>} : memref<96x64xf32, #tpu.memory_space<vmem>>, vector<1x16xf32>,
        %parallel_loop3A_180 = vector.shape_cast %parallel_loop3A_179 : vector<1x16xf32> to vector<16xf32>
        %parallel_loop3A_181 = arith.addf %parallel_loop3A_172, %parallel_loop3A_180 : vector<16xf32>
        %parallel_loop3A_182 = arith.index_cast %parallel_loop3A_98 : i32 to index
        %parallel_loop3A_183 = arith.constant 48 : index
        %parallel_loop3A_184 = tpu.vector_load %arg11[%parallel_loop3A_182, %parallel_loop3A_183] {strides = array<i32>} : memref<48x128xf32, #tpu.memory_space<vmem>>, vector<1x16xf32>,
        %parallel_loop3A_185 = vector.shape_cast %parallel_loop3A_184 : vector<1x16xf32> to vector<16xf32>
        %parallel_loop3A_186 = vector.shape_cast %parallel_loop3A_181 : vector<16xf32> to vector<1x16xf32>
        tpu.vector_store %arg11[%parallel_loop3A_182, %parallel_loop3A_183], %parallel_loop3A_186 {strides = array<i32>} : memref<48x128xf32, #tpu.memory_space<vmem>>, vector<1x16xf32>,
        %parallel_loop3A_187 = arith.constant 2 : i32
        %parallel_loop3A_188 = arith.muli %parallel_loop3A_98, %parallel_loop3A_187 : i32
        %parallel_loop3A_189 = arith.constant 1 : i32
        %parallel_loop3A_190 = arith.addi %parallel_loop3A_188, %parallel_loop3A_189 : i32
        %parallel_loop3A_191 = arith.index_cast %parallel_loop3A_190 : i32 to index
        %parallel_loop3A_192 = arith.constant 0 : index
        %parallel_loop3A_193 = tpu.vector_load %arg9[%parallel_loop3A_191, %parallel_loop3A_192] {strides = array<i32>} : memref<96x64xf32, #tpu.memory_space<vmem>>, vector<1x16xf32>,
        %parallel_loop3A_194 = vector.shape_cast %parallel_loop3A_193 : vector<1x16xf32> to vector<16xf32>
        %parallel_loop3A_195 = arith.constant 2 : i32
        %parallel_loop3A_196 = arith.muli %parallel_loop3A_98, %parallel_loop3A_195 : i32
        %parallel_loop3A_197 = arith.constant 1 : i32
        %parallel_loop3A_198 = arith.addi %parallel_loop3A_196, %parallel_loop3A_197 : i32
        %parallel_loop3A_199 = arith.index_cast %parallel_loop3A_198 : i32 to index
        %parallel_loop3A_200 = arith.constant 0 : index
        %parallel_loop3A_201 = tpu.vector_load %arg7[%parallel_loop3A_199, %parallel_loop3A_200] {strides = array<i32>} : memref<96x64xf32, #tpu.memory_space<vmem>>, vector<1x16xf32>,
        %parallel_loop3A_202 = vector.shape_cast %parallel_loop3A_201 : vector<1x16xf32> to vector<16xf32>
        %parallel_loop3A_203 = arith.addf %parallel_loop3A_194, %parallel_loop3A_202 : vector<16xf32>
        %parallel_loop3A_204 = arith.index_cast %parallel_loop3A_98 : i32 to index
        %parallel_loop3A_205 = arith.constant 64 : index
        %parallel_loop3A_206 = tpu.vector_load %arg11[%parallel_loop3A_204, %parallel_loop3A_205] {strides = array<i32>} : memref<48x128xf32, #tpu.memory_space<vmem>>, vector<1x16xf32>,
        %parallel_loop3A_207 = vector.shape_cast %parallel_loop3A_206 : vector<1x16xf32> to vector<16xf32>
        %parallel_loop3A_208 = vector.shape_cast %parallel_loop3A_203 : vector<16xf32> to vector<1x16xf32>
        tpu.vector_store %arg11[%parallel_loop3A_204, %parallel_loop3A_205], %parallel_loop3A_208 {strides = array<i32>} : memref<48x128xf32, #tpu.memory_space<vmem>>, vector<1x16xf32>,
        %parallel_loop3A_209 = arith.constant 2 : i32
        %parallel_loop3A_210 = arith.muli %parallel_loop3A_98, %parallel_loop3A_209 : i32
        %parallel_loop3A_211 = arith.constant 1 : i32
        %parallel_loop3A_212 = arith.addi %parallel_loop3A_210, %parallel_loop3A_211 : i32
        %parallel_loop3A_213 = arith.index_cast %parallel_loop3A_212 : i32 to index
        %parallel_loop3A_214 = arith.constant 16 : index
        %parallel_loop3A_215 = tpu.vector_load %arg9[%parallel_loop3A_213, %parallel_loop3A_214] {strides = array<i32>} : memref<96x64xf32, #tpu.memory_space<vmem>>, vector<1x16xf32>,
        %parallel_loop3A_216 = vector.shape_cast %parallel_loop3A_215 : vector<1x16xf32> to vector<16xf32>
        %parallel_loop3A_217 = arith.constant 2 : i32
        %parallel_loop3A_218 = arith.muli %parallel_loop3A_98, %parallel_loop3A_217 : i32
        %parallel_loop3A_219 = arith.constant 1 : i32
        %parallel_loop3A_220 = arith.addi %parallel_loop3A_218, %parallel_loop3A_219 : i32
        %parallel_loop3A_221 = arith.index_cast %parallel_loop3A_220 : i32 to index
        %parallel_loop3A_222 = arith.constant 16 : index
        %parallel_loop3A_223 = tpu.vector_load %arg7[%parallel_loop3A_221, %parallel_loop3A_222] {strides = array<i32>} : memref<96x64xf32, #tpu.memory_space<vmem>>, vector<1x16xf32>,
        %parallel_loop3A_224 = vector.shape_cast %parallel_loop3A_223 : vector<1x16xf32> to vector<16xf32>
        %parallel_loop3A_225 = arith.addf %parallel_loop3A_216, %parallel_loop3A_224 : vector<16xf32>
        %parallel_loop3A_226 = arith.index_cast %parallel_loop3A_98 : i32 to index
        %parallel_loop3A_227 = arith.constant 80 : index
        %parallel_loop3A_228 = tpu.vector_load %arg11[%parallel_loop3A_226, %parallel_loop3A_227] {strides = array<i32>} : memref<48x128xf32, #tpu.memory_space<vmem>>, vector<1x16xf32>,
        %parallel_loop3A_229 = vector.shape_cast %parallel_loop3A_228 : vector<1x16xf32> to vector<16xf32>
        %parallel_loop3A_230 = vector.shape_cast %parallel_loop3A_225 : vector<16xf32> to vector<1x16xf32>
        tpu.vector_store %arg11[%parallel_loop3A_226, %parallel_loop3A_227], %parallel_loop3A_230 {strides = array<i32>} : memref<48x128xf32, #tpu.memory_space<vmem>>, vector<1x16xf32>,
        %parallel_loop3A_231 = arith.constant 2 : i32
        %parallel_loop3A_232 = arith.muli %parallel_loop3A_98, %parallel_loop3A_231 : i32
        %parallel_loop3A_233 = arith.constant 1 : i32
        %parallel_loop3A_234 = arith.addi %parallel_loop3A_232, %parallel_loop3A_233 : i32
        %parallel_loop3A_235 = arith.index_cast %parallel_loop3A_234 : i32 to index
        %parallel_loop3A_236 = arith.constant 32 : index
        %parallel_loop3A_237 = tpu.vector_load %arg9[%parallel_loop3A_235, %parallel_loop3A_236] {strides = array<i32>} : memref<96x64xf32, #tpu.memory_space<vmem>>, vector<1x16xf32>,
        %parallel_loop3A_238 = vector.shape_cast %parallel_loop3A_237 : vector<1x16xf32> to vector<16xf32>
        %parallel_loop3A_239 = arith.constant 2 : i32
        %parallel_loop3A_240 = arith.muli %parallel_loop3A_98, %parallel_loop3A_239 : i32
        %parallel_loop3A_241 = arith.constant 1 : i32
        %parallel_loop3A_242 = arith.addi %parallel_loop3A_240, %parallel_loop3A_241 : i32
        %parallel_loop3A_243 = arith.index_cast %parallel_loop3A_242 : i32 to index
        %parallel_loop3A_244 = arith.constant 32 : index
        %parallel_loop3A_245 = tpu.vector_load %arg7[%parallel_loop3A_243, %parallel_loop3A_244] {strides = array<i32>} : memref<96x64xf32, #tpu.memory_space<vmem>>, vector<1x16xf32>,
        %parallel_loop3A_246 = vector.shape_cast %parallel_loop3A_245 : vector<1x16xf32> to vector<16xf32>
        %parallel_loop3A_247 = arith.addf %parallel_loop3A_238, %parallel_loop3A_246 : vector<16xf32>
        %parallel_loop3A_248 = arith.index_cast %parallel_loop3A_98 : i32 to index
        %parallel_loop3A_249 = arith.constant 96 : index
        %parallel_loop3A_250 = tpu.vector_load %arg11[%parallel_loop3A_248, %parallel_loop3A_249] {strides = array<i32>} : memref<48x128xf32, #tpu.memory_space<vmem>>, vector<1x16xf32>,
        %parallel_loop3A_251 = vector.shape_cast %parallel_loop3A_250 : vector<1x16xf32> to vector<16xf32>
        %parallel_loop3A_252 = vector.shape_cast %parallel_loop3A_247 : vector<16xf32> to vector<1x16xf32>
        tpu.vector_store %arg11[%parallel_loop3A_248, %parallel_loop3A_249], %parallel_loop3A_252 {strides = array<i32>} : memref<48x128xf32, #tpu.memory_space<vmem>>, vector<1x16xf32>,
        %parallel_loop3A_253 = arith.constant 2 : i32
        %parallel_loop3A_254 = arith.muli %parallel_loop3A_98, %parallel_loop3A_253 : i32
        %parallel_loop3A_255 = arith.constant 1 : i32
        %parallel_loop3A_256 = arith.addi %parallel_loop3A_254, %parallel_loop3A_255 : i32
        %parallel_loop3A_257 = arith.index_cast %parallel_loop3A_256 : i32 to index
        %parallel_loop3A_258 = arith.constant 48 : index
        %parallel_loop3A_259 = tpu.vector_load %arg9[%parallel_loop3A_257, %parallel_loop3A_258] {strides = array<i32>} : memref<96x64xf32, #tpu.memory_space<vmem>>, vector<1x16xf32>,
        %parallel_loop3A_260 = vector.shape_cast %parallel_loop3A_259 : vector<1x16xf32> to vector<16xf32>
        %parallel_loop3A_261 = arith.constant 2 : i32
        %parallel_loop3A_262 = arith.muli %parallel_loop3A_98, %parallel_loop3A_261 : i32
        %parallel_loop3A_263 = arith.constant 1 : i32
        %parallel_loop3A_264 = arith.addi %parallel_loop3A_262, %parallel_loop3A_263 : i32
        %parallel_loop3A_265 = arith.index_cast %parallel_loop3A_264 : i32 to index
        %parallel_loop3A_266 = arith.constant 48 : index
        %parallel_loop3A_267 = tpu.vector_load %arg7[%parallel_loop3A_265, %parallel_loop3A_266] {strides = array<i32>} : memref<96x64xf32, #tpu.memory_space<vmem>>, vector<1x16xf32>,
        %parallel_loop3A_268 = vector.shape_cast %parallel_loop3A_267 : vector<1x16xf32> to vector<16xf32>
        %parallel_loop3A_269 = arith.addf %parallel_loop3A_260, %parallel_loop3A_268 : vector<16xf32>
        %parallel_loop3A_270 = arith.index_cast %parallel_loop3A_98 : i32 to index
        %parallel_loop3A_271 = arith.constant 112 : index
        %parallel_loop3A_272 = tpu.vector_load %arg11[%parallel_loop3A_270, %parallel_loop3A_271] {strides = array<i32>} : memref<48x128xf32, #tpu.memory_space<vmem>>, vector<1x16xf32>,
        %parallel_loop3A_273 = vector.shape_cast %parallel_loop3A_272 : vector<1x16xf32> to vector<16xf32>
        %parallel_loop3A_274 = vector.shape_cast %parallel_loop3A_269 : vector<16xf32> to vector<1x16xf32>
        tpu.vector_store %arg11[%parallel_loop3A_270, %parallel_loop3A_271], %parallel_loop3A_274 {strides = array<i32>} : memref<48x128xf32, #tpu.memory_space<vmem>>, vector<1x16xf32>,
      } {sc.loop_unroll_factor = 4 : i64, sc.parallel_access}
      %add3A_89 = arith.addi %mul3A_2, %add3A_67 : i32
      %dma_start3A_90 = arith.constant 0 : i32
      %dma_start3A_91 = arith.constant 0 : i32
      %dma_start3A_92 = tpu.memref_slice %arg5[%dma_start3A_90, %add3A_89, %dma_start3A_91] : memref<48x4096x128xf32, #tpu.memory_space<hbm>> -> memref<48x1x128xf32, #tpu.memory_space<hbm>>
      %dma_start3A_93 = tpu.memref_squeeze %dma_start3A_92 : memref<48x1x128xf32, #tpu.memory_space<hbm>> -> memref<48x128xf32, #tpu.memory_space<hbm>>
      %dma_start3A_94 = arith.constant 0 : i32
      %dma_start3A_95 = arith.constant 0 : i32
      %dma_start3A_96 = tpu.memref_slice %arg5[%dma_start3A_94, %add3A_89, %dma_start3A_95] : memref<48x4096x128xf32, #tpu.memory_space<hbm>> -> memref<48x1x128xf32, #tpu.memory_space<hbm>>
      %dma_start3A_97 = tpu.memref_squeeze %dma_start3A_96 : memref<48x1x128xf32, #tpu.memory_space<hbm>> -> memref<48x128xf32, #tpu.memory_space<hbm>>
      tpu.enqueue_dma source(%arg11 : memref<48x128xf32, #tpu.memory_space<vmem>>) target(%dma_start3A_97 : memref<48x128xf32, #tpu.memory_space<hbm>>) target_semaphore(%arg15 : memref<!tpu.dma_semaphore, #tpu.memory_space<semaphore_mem>>)
    }
    %scan3A_12 = arith.constant 64 : i32
    %dma_wait3A = arith.constant 0 : i32
    %dma_wait3A_13 = arith.constant 0 : i32
    %dma_wait3A_14 = arith.constant 0 : i32
    %dma_wait3A_15 = tpu.memref_slice %arg5[%dma_wait3A_13, %dma_wait3A, %dma_wait3A_14] : memref<48x4096x128xf32, #tpu.memory_space<hbm>> -> memref<48x1x128xf32, #tpu.memory_space<hbm>>
    %dma_wait3A_16 = tpu.memref_squeeze %dma_wait3A_15 : memref<48x1x128xf32, #tpu.memory_space<hbm>> -> memref<48x128xf32, #tpu.memory_space<hbm>>
    %dma_wait3A_17 = arith.constant 0 : i32
    %dma_wait3A_18 = arith.constant 0 : i32
    %dma_wait3A_19 = tpu.memref_slice %arg5[%dma_wait3A_17, %dma_wait3A, %dma_wait3A_18] : memref<48x4096x128xf32, #tpu.memory_space<hbm>> -> memref<48x1x128xf32, #tpu.memory_space<hbm>>
    %dma_wait3A_20 = tpu.memref_squeeze %dma_wait3A_19 : memref<48x1x128xf32, #tpu.memory_space<hbm>> -> memref<48x128xf32, #tpu.memory_space<hbm>>
    tpu.wait_dma2 semaphore(%arg14 : memref<!tpu.dma_semaphore, #tpu.memory_space<semaphore_mem>>) src(%arg10 : memref<48x128xf32, #tpu.memory_space<vmem>>) dst(%dma_wait3A_20 : memref<48x128xf32, #tpu.memory_space<hbm>>)
    %dma_wait3A_21 = arith.constant 0 : i32
    %dma_wait3A_22 = arith.constant 0 : i32
    %dma_wait3A_23 = arith.constant 0 : i32
    %dma_wait3A_24 = tpu.memref_slice %arg5[%dma_wait3A_22, %dma_wait3A_21, %dma_wait3A_23] : memref<48x4096x128xf32, #tpu.memory_space<hbm>> -> memref<48x1x128xf32, #tpu.memory_space<hbm>>
    %dma_wait3A_25 = tpu.memref_squeeze %dma_wait3A_24 : memref<48x1x128xf32, #tpu.memory_space<hbm>> -> memref<48x128xf32, #tpu.memory_space<hbm>>
    %dma_wait3A_26 = arith.constant 0 : i32
    %dma_wait3A_27 = arith.constant 0 : i32
    %dma_wait3A_28 = tpu.memref_slice %arg5[%dma_wait3A_26, %dma_wait3A_21, %dma_wait3A_27] : memref<48x4096x128xf32, #tpu.memory_space<hbm>> -> memref<48x1x128xf32, #tpu.memory_space<hbm>>
    %dma_wait3A_29 = tpu.memref_squeeze %dma_wait3A_28 : memref<48x1x128xf32, #tpu.memory_space<hbm>> -> memref<48x128xf32, #tpu.memory_space<hbm>>
    tpu.wait_dma2 semaphore(%arg15 : memref<!tpu.dma_semaphore, #tpu.memory_space<semaphore_mem>>) src(%arg11 : memref<48x128xf32, #tpu.memory_space<vmem>>) dst(%dma_wait3A_29 : memref<48x128xf32, #tpu.memory_space<hbm>>)
    return
  }
}

module attributes {stable_mosaic.version = 14 : i64} {
  func.func @_tc_relayout_first_body(%arg0: i32, %arg1: memref<1x4096x128xf32, #tpu.memory_space<vmem>>, %arg2: memref<2x64x4096xf32, #tpu.memory_space<vmem>>) attributes {dimension_semantics = [#tpu.dimension_semantics<arbitrary>], iteration_bounds = array<i64: 52>, scalar_prefetch = 0 : i64, scratch_operands = 0 : i64, tpu.core_type = #tpu.core_type<tc>, window_params = [{transform_indices = @transform_0, window_bounds = array<i64: 1, 4096, 128>}, {transform_indices = @transform_1, window_bounds = array<i64: 2, 64, 4096>}]} {
    %get3A = arith.constant 0 : index
    %get3A_0 = arith.constant 0 : index
    %get3A_1 = arith.constant 0 : index
    %get3A_2 = vector.load %arg1[%get3A, %get3A_0, %get3A_1] : memref<1x4096x128xf32, #tpu.memory_space<vmem>>, vector<1x4096x128xf32>
    %get3A_3 = vector.shape_cast %get3A_2 : vector<1x4096x128xf32> to vector<4096x128xf32>
    %transpose3A = tpu.transpose %get3A_3, [1, 0] : vector<4096x128xf32> -> vector<128x4096xf32>
    %reshape3A = vector.shape_cast %transpose3A : vector<128x4096xf32> to vector<2x64x4096xf32>
    %swap3A = arith.constant 0 : index
    %swap3A_4 = arith.constant 0 : index
    %swap3A_5 = arith.constant 0 : index
    %swap3A_6 = vector.load %arg2[%swap3A, %swap3A_4, %swap3A_5] : memref<2x64x4096xf32, #tpu.memory_space<vmem>>, vector<2x64x4096xf32>
    tpu.vector_store %arg2[%swap3A, %swap3A_4, %swap3A_5], %reshape3A {strides = array<i32>} : memref<2x64x4096xf32, #tpu.memory_space<vmem>>, vector<2x64x4096xf32>,
    return
  }
  func.func @transform_0(%arg0: i32) -> (i32, i32, i32) {
    %c0_i32 = arith.constant 0 : i32
    %c0_i32_0 = arith.constant 0 : i32
    %c0_i32_1 = arith.constant 0 : i32
    return %arg0, %c0_i32, %c0_i32_0 : i32, i32, i32
  }
  func.func @transform_1(%arg0: i32) -> (i32, i32, i32) {
    %c0_i32 = arith.constant 0 : i32
    %c0_i32_0 = arith.constant 0 : i32
    %c0_i32_1 = arith.constant 0 : i32
    return %arg0, %c0_i32, %c0_i32_0 : i32, i32, i32
  }
}

module attributes {stable_mosaic.version = 14 : i64} {
  func.func @_tc_relayout_body(%arg0: i32, %arg1: memref<1x4096x128xf32, #tpu.memory_space<vmem>>, %arg2: memref<200x64x4096xf32, #tpu.memory_space<any>>, %arg3: memref<2x64x4096xf32, #tpu.memory_space<vmem>>) attributes {dimension_semantics = [#tpu.dimension_semantics<arbitrary>], iteration_bounds = array<i64: 48>, scalar_prefetch = 0 : i64, scratch_operands = 0 : i64, tpu.core_type = #tpu.core_type<tc>, window_params = [{transform_indices = @transform_0, window_bounds = array<i64: 1, 4096, 128>}, {}, {transform_indices = @transform_2, window_bounds = array<i64: 2, 64, 4096>}]} {
    %get3A = arith.constant 0 : index
    %get3A_0 = arith.constant 0 : index
    %get3A_1 = arith.constant 0 : index
    %get3A_2 = vector.load %arg1[%get3A, %get3A_0, %get3A_1] : memref<1x4096x128xf32, #tpu.memory_space<vmem>>, vector<1x4096x128xf32>
    %get3A_3 = vector.shape_cast %get3A_2 : vector<1x4096x128xf32> to vector<4096x128xf32>
    %transpose3A = tpu.transpose %get3A_3, [1, 0] : vector<4096x128xf32> -> vector<128x4096xf32>
    %reshape3A = vector.shape_cast %transpose3A : vector<128x4096xf32> to vector<2x64x4096xf32>
    %swap3A = arith.constant 0 : index
    %swap3A_4 = arith.constant 0 : index
    %swap3A_5 = arith.constant 0 : index
    %swap3A_6 = vector.load %arg3[%swap3A, %swap3A_4, %swap3A_5] : memref<2x64x4096xf32, #tpu.memory_space<vmem>>, vector<2x64x4096xf32>
    tpu.vector_store %arg3[%swap3A, %swap3A_4, %swap3A_5], %reshape3A {strides = array<i32>} : memref<2x64x4096xf32, #tpu.memory_space<vmem>>, vector<2x64x4096xf32>,
    return
  }
  func.func @transform_0(%arg0: i32) -> (i32, i32, i32) {
    %c0_i32 = arith.constant 0 : i32
    %c0_i32_0 = arith.constant 0 : i32
    %c0_i32_1 = arith.constant 0 : i32
    return %arg0, %c0_i32, %c0_i32_0 : i32, i32, i32
  }
  func.func @transform_2(%arg0: i32) -> (i32, i32, i32) {
    %add3A = arith.constant 52 : i32
    %add3A_0 = arith.addi %add3A, %arg0 : i32
    %c0_i32 = arith.constant 0 : i32
    %c0_i32_1 = arith.constant 0 : i32
    %c0_i32_2 = arith.constant 0 : i32
    return %add3A_0, %c0_i32, %c0_i32_1 : i32, i32, i32
  }
}

</mosaic_0001>

<sc_bundles>
// kernel: kernel.6.cloned.1.call-start
scs
__scs_entry_jumppad:
0x0: {  	(pc) =	sbr.rel $0x88, $3  }
0x1: {  	(tag) =	ssettag $0x0;
	lr =	simm.s32 $0x1  }
0x2: {  	[smem:$0x3F9E] =	sst lr;
	_ =	strace $0xD0000000  }
0x3: {  	_ = 	snop  }
0x4: {  	_ = 	snop  }
0x5: {  	_ = 	snop  }
0x6: {  	_ = 	snop  }
0x7: {  	_ = 	snop  }
__scs_overlays_trampoline_lowered:
0x8: {  	[smem:$0x3FAD] =	sst s0  }
0x9: {  	[smem:$0x3FAE] =	sst s1  }
0xa: {  	[smem:$0x3FAF] =	sst s2  }
0xb: {  	[smem:$0x3FB0] =	sst s3  }
0xc: {  	[smem:$0x3FB1] =	sst s4  }
0xd: {  	[smem:$0x3FB2] =	sst s5  }
0xe: {  	[smem:$0x3FB3] =	sst s6  }
0xf: {  	[smem:$0x3FB4] =	sst s7  }
0x10: {  	[smem:$0x3FB5] =	sst s8  }
0x11: {  	[smem:$0x3FB6] =	sst s9;
	s0 =	simm.s32 @!p0 $0x0  }
0x12: {  	s1 =	sld [smem:$0x3F9C];
	s0 =	simm.s32 @p0 $0x1  }
0x13: {  	[smem:$0x3FB7] =	sst s0;
	s0 =	simm.s32 @!p1 $0x0  }
0x14: {  	s2 =	sld [smem:$0x3F9B];
	s0 =	simm.s32 @p1 $0x1  }
0x15: {  	[smem:$0x3FB8] =	sst s0;
	s0 =	simm.s32 @!p2 $0x0  }
0x16: {  	s3 =	sld [smem:$0x3FDB];
	s0 =	simm.s32 @p2 $0x1  }
0x17: {  	s4 =	simm.s32 $0x1BF5;
	[smem:$0x3FBA] =	sst s0  }
0x18: {  	s0 =	sld [smem:$0x3F9D];
	_ =	swait.ge [sflag:s4], $0x0  }
0x19: {  	s7 =	sld [smem:$0x3F9E]  }
0x1a: {  	s8 =	sadd.s32 $0xFFFFE003, lr  }
0x1b: {  	s9 =	sadd.s32 $0xFFFFFEF7, lr;
	s5 =	simm.s32 $0xFFFFFFFF;
	p2 =	slt.u32 s8, $0xFFFFF086  }
0x1c: {  	p1 =	slt.u32 s9, $0xF7A;
	s5 =	simm.s32 @!p2 $0x0  }
0x1d: {  	s5 =	simm.s32 @p1 $0x1;
	p0 =	seq.s32 s7, s2  }
0x1e: {  	s7 =	smul.u32 @!p0 $0xF7A, s2;
	p2 =	seq.s32 @!p0 s5, $0x0  }
0x1f: {  	s9 =	smul.u32 $0xF7A, s1;
	s8 =	simm.s32 @!p0 $0x1BF5;
	p2 =	por !p2, p0  }
0x20: {  	[sflag:s8] =	ssyncset.s32 @!p0 $0xFFFFF086;
	s6 =	sadd.s32 @!p0 s3, s7;
	s7 =	simm.s32 @!p0 $0x108  }
0x21: {  	s3 =	sadd.s32 s3, s9;
	s6 =	sadd.s32 @!p0 $0x88, s6;
	s7 =	simm.s32 @p2 $0x1082  }
0x22: {  	[simem:s7], [sflag:s8] =	dma.local @!p0 [hbm:s6], $0xF7A  }
0x23: {  	s9 =	sor.u32 $0xD0000000, s2;
	s6 =	simm.s32 $0x108;
	_ =	swait.ge @!p0 [sflag:s8], $0x0  }
0x24: {  	s3 =	sadd.s32 $0x88, s3;
	s6 =	simm.s32 @!p1 $0x1082;
	[sflag:s4] =	ssyncset.s32 $0xFFFFF086  }
0x25: {  	[simem:s6], [sflag:s4] =	dma.local [hbm:s3], $0xF7A  }
0x26: {  	[smem:$0x3F9E] =	sst s1;
	(tag) =	ssettag s2;
	_ =	strace s9  }
0x27: {  	s1 =	sld [smem:$0x3FAE]  }
0x28: {  	s2 =	sld [smem:$0x3FAF]  }
0x29: {  	s4 =	sld [smem:$0x3FB1]  }
0x2a: {  	p0 =	seq.s32 s5, $0x0;
	s5 =	sld [smem:$0x3FB2]  }
0x2b: {  	s6 =	sld [smem:$0x3FB3]  }
0x2c: {  	s7 =	sld [smem:$0x3FB4]  }
0x2d: {  	s3 =	simm.s32 $0x108;
	s8 =	sld [smem:$0x3FB5]  }
0x2e: {  	s3 =	simm.s32 @!p0 $0x1082;
	s9 =	sld [smem:$0x3FB6]  }
0x2f: {  	lr =	sadd.s32 s0, s3;
	s0 =	sld [smem:$0x3FAD]  }
0x30: {  	s3 =	sld [smem:$0x3FB0]  }
0x31: {  	[smem:$0x3FB9] =	sst s10  }
0x32: {  	s10 =	sld [smem:$0x3FB7];
	_ =	sdelay $0x3  }
0x33: {  	p0 =	seq.s32 s10, $0x1;
	s10 =	sld [smem:$0x3FB9];
	_ =	sdelay $0x3  }
0x34: {  	[smem:$0x3FB9] =	sst s10  }
0x35: {  	s10 =	sld [smem:$0x3FB8];
	_ =	sdelay $0x3  }
0x36: {  	p1 =	seq.s32 s10, $0x1;
	s10 =	sld [smem:$0x3FB9];
	_ =	sdelay $0x3  }
0x37: {  	[smem:$0x3FB9] =	sst s10  }
0x38: {  	s10 =	sld [smem:$0x3FBA]  }
0x39: {  	_ = 	snop;
	(pc) =	sbr.ind lr, $3  }
0x3a: {  	_ = 	snop  }
0x3b: {  	_ = 	snop  }
0x3c: {  	p2 =	seq.s32 s10, $0x1;
	s10 =	sld [smem:$0x3FB9]  }
0x3d: {  	_ =	shalt  }
0x3e: {  	_ =	shalt  }
0x3f: {  	_ =	shalt  }
0x40: {  	_ =	shalt  }
0x41: {  	_ =	shalt  }
0x42: {  	_ =	shalt  }
0x43: {  	_ =	shalt  }
0x44: {  	_ =	shalt  }
0x45: {  	_ =	shalt  }
0x46: {  	_ =	shalt  }
0x47: {  	_ =	shalt  }
0x48: {  	_ =	shalt  }
0x49: {  	_ =	shalt  }
0x4a: {  	_ =	shalt  }
0x4b: {  	_ =	shalt  }
0x4c: {  	_ =	shalt  }
0x4d: {  	_ =	shalt  }
0x4e: {  	_ =	shalt  }
0x4f: {  	_ =	shalt  }
0x50: {  	_ =	shalt  }
0x51: {  	_ =	shalt  }
0x52: {  	_ =	shalt  }
0x53: {  	_ =	shalt  }
0x54: {  	_ =	shalt  }
0x55: {  	_ =	shalt  }
0x56: {  	_ =	shalt  }
0x57: {  	_ =	shalt  }
0x58: {  	_ =	shalt  }
0x59: {  	_ =	shalt  }
0x5a: {  	_ =	shalt  }
0x5b: {  	_ =	shalt  }
0x5c: {  	_ =	shalt  }
0x5d: {  	_ =	shalt  }
0x5e: {  	_ =	shalt  }
0x5f: {  	_ =	shalt  }
0x60: {  	_ =	shalt  }
0x61: {  	_ =	shalt  }
0x62: {  	_ =	shalt  }
0x63: {  	_ =	shalt  }
0x64: {  	_ =	shalt  }
0x65: {  	_ =	shalt  }
0x66: {  	_ =	shalt  }
0x67: {  	_ =	shalt  }
0x68: {  	_ =	shalt  }
0x69: {  	_ =	shalt  }
0x6a: {  	_ =	shalt  }
0x6b: {  	_ =	shalt  }
0x6c: {  	_ =	shalt  }
0x6d: {  	_ =	shalt  }
0x6e: {  	_ =	shalt  }
0x6f: {  	_ =	shalt  }
0x70: {  	_ =	shalt  }
0x71: {  	_ =	shalt  }
0x72: {  	_ =	shalt  }
0x73: {  	_ =	shalt  }
0x74: {  	_ =	shalt  }
0x75: {  	_ =	shalt  }
0x76: {  	_ =	shalt  }
0x77: {  	_ =	shalt  }
0x78: {  	_ =	shalt  }
0x79: {  	_ =	shalt  }
0x7a: {  	_ =	shalt  }
0x7b: {  	_ =	shalt  }
0x7c: {  	_ =	shalt  }
0x7d: {  	_ =	shalt  }
0x7e: {  	_ =	shalt  }
0x7f: {  	_ =	shalt  }
0x80: {  	_ =	shalt  }
0x81: {  	_ =	shalt  }
0x82: {  	_ =	shalt  }
0x83: {  	_ =	shalt  }
0x84: {  	_ =	shalt  }
0x85: {  	_ =	shalt  }
0x86: {  	_ =	shalt  }
0x87: {  	_ =	shalt  }
.Lfunc_end0:
.L_simem_size_0:
called_computation_lowered:
.L_overlay_start_0:
0x88: {  	s2 =	sld [smem:$0x3FD9]  }
0x89: {  	s3 =	sld [smem:$0x3FFE];
	_ =	sdelay $0x1  }
0x8a: {  	s1 =	srdreg.scid  }
0x8b: {  	s0 =	sand.u32 $0x1, s1  }
0x8c: {  	s16 =	sshll.u32 s0, $0xA;
	s2 =	sadd.s32 s3, s2  }
0x8d: {  	s2 =	sadd.s32 s2, s16  }
0x8e: {  	[smem:$0x3FC5] =	sst s2  }
0x8f: {  	_ = 	snop  }
0x90: {  	(tm) =	ssettm $0x1  }
0x91: {  	s17 =	sld [smem:$0x3FFB];
	_ =	sdelay $0x3  }
0x92: {  	_ =	strace s17  }
0x93: {  	s2 =	sld [smem:$0x3FFC];
	_ =	sdelay $0x3  }
0x94: {  	_ =	strace s2  }
0x95: {  	s2 =	sld [smem:$0x3FFD];
	_ =	sdelay $0x3  }
0x96: {  	_ =	strace s2  }
0x97: {  	_ =	strace $0x8FFFFFFF  }
0x98: {  	s18 =	sld [smem:$0x3FDB];
	_ =	sdelay $0x1  }
0x99: {  	s19 =	simm.s32 $_scs_section_size  }
0x9a: {  	s4 =	simm.s32 $_size__tile_overlayer_lowered;
	s5 =	simm.s32 $_tile_overlayer_lowered  }
0x9b: {  	s22 =	simm.s32 $0x1BFF;
	s21 =	sshll.u32 s5, $0x1;
	s2 =	sadd.s32 s19, s18  }
0x9c: {  	s6 =	simm.s32 $0x0;
	s20 =	sshll.u32 s4, $0x1;
	s4 =	sadd.s32 s21, s2  }
0x9d: {  	[timem:s6], [sflag:s22] =	dma.local [hbm:s4], s20  }
0x9e: {  	_ =	swait.ge [sflag:s22], s20  }
0x9f: {  	s3 =	ssub.s32 $0x0, s20;
	[sflag:s22] =	ssyncset.done $0x0  }
0xa0: {  	[sflag:s22] =	ssyncadd.s32 s3;
	_ =	sdelay $0x1  }
0xa1: {  	s23 =	simm.s32 $0x1B8B  }
0xa2: {  	_ =	swait.ge [sflag:s23], $0x1  }
0xa3: {  	[sflag:s23] =	ssyncset.done $0x0  }
0xa4: {  	s25 =	simm.s32 $0x1B8E;
	s24 =	sld [smem:$0x3FFE];
	[sflag:s23] =	ssyncadd.s32 $0xFFFFFFFF  }
0xa5: {  	s26 =	simm.s32 $execute0_lowered;
	[smem:$0x3FD2] =	sst s25  }
0xa6: {  	s4 =	sshll.u32 s26, $0x1;
	_ =	strace $0x80000046;
	[dreg:$0x1] =	wrdreg $0xFFFFFFFF  }
0xa7: {  	s28 =	simm.s32 $_size_execute0_lowered;
	s2 =	sadd.s32 s2, s4;
	[dreg:$0x0] =	wrdreg $0x0  }
0xa8: {  	s4 =	sshll.u32 s28, $0x1;
	[dreg:$0x2] =	wrdreg s2  }
0xa9: {  	[dreg:$0x3] =	wrdreg s4  }
0xaa: {  	[dreg:$0x4] =	wrdreg $0xC0  }
0xab: {  	_ =	task [dreg:s6], $0x5FFFF  }
0xac: {  	[dreg:$0x1] =	wrdreg $0xFFFFFFFF  }
0xad: {  	[dreg:$0x0] =	wrdreg $0x60  }
0xae: {  	[dreg:$0x2] =	wrdreg s24  }
0xaf: {  	[dreg:$0x3] =	wrdreg $0x9  }
0xb0: {  	_ =	task.clear_ibuf [dreg:s6], $0x4FFFF;
	_ =	strace $0x90000046  }
0xb1: {  	s29 =	simm.s32 $0x9;
	_ =	strace $0x80000048  }
0xb2: {  	_ =	swait.ge [sflag:s29], $0x1  }
0xb3: {  	[sflag:s29] =	ssyncadd.s32 $0xFFFFFFFF  }
0xb4: {  	_ =	strace $0x90000048  }
0xb5: {  	_ =	sfence  }
0xb6: {  	s30 =	sld [smem:$0x0];
	_ =	sdelay $0x2  }
0xb7: {  	s31 =	sshll.u32 s1, $0xD;
	s1 =	sshrl.u32 s1, $0x2  }
0xb8: {  	s3 =	sand.u32 $0x4000, s31;
	s1 =	sadd.s32 s1, s30  }
0xb9: {  	s0 =	sor.u32 s3, s0;
	s1 =	sshll.u32 s1, $0x11  }
0xba: {  	s0 =	sor.u32 s1, s0  }
0xbb: {  	s0 =	sadd.s32 $0x8F2B, s0  }
0xbc: {  	[sflag:s0] =	ssyncadd.remote.s32 $0x1  }
0xbd: {  	_ =	sfence.sel $0xFFFF  }
0xbe: {  	[dreg:$0x0] =	wrdreg $0xFFFFFFFF;
	(pc) =	sbr.abs _section_cstart, $3  }
0xbf: {  	[dreg:$0x1] =	wrdreg $0xFFFFFFFF  }
0xc0: {  	_ =	task.clear_ibuf [dreg:s6], $0x2FFFF;
	_ =	strace $0x9FFFFFFF  }
0xc1: {  	(tm) =	ssettm $0x7FFFFFFF  }
tec
execute0_lowered:
.L_overlay_start_1:
0x0: {  	(tag) =	ssettag $0x1  }
0x1: {  	s0 =	srdreg.scid  }
0x2: {  	s1 =	stileid.u32;
	s6 =	rddreg [dreg:$0x0];
	s3 =	simm.s32 $0x0  }
0x3: {  	s9 =	simm.s32 $0x68;
	s11 =	simm.s32 $0x5;
	s12 =	simm.s32 $0x3400  }
0x4: {  	s13 =	simm.s32 $0x4E00;
	s14 =	simm.s32 $0x6800;
	s15 =	simm.s32 $0x1  }
0x5: {  	s16 =	simm.s32 $0x80;
	s17 =	simm.s32 $0x80000;
	s18 =	simm.s32 $0x8200  }
0x6: {  	s19 =	simm.s32 $0x2;
	s20 =	simm.s32 $0x4;
	s0 =	sand.u32 $0x1, s0  }
0x7: {  	s21 =	simm.s32 $0x9C00;
	s1 =	sshll.u32 s1, $0x8;
	s2 =	sshll.u32 s0, $0x7  }
0x8: {  	s22 =	simm.s32 $0x3;
	s23 =	simm.s32 $0x0;
	s2 =	sor.u32 s2, s1  }
0x9: {  	[smem:$0x7FF] =	sst s3;
	s0 =	ssub.s32 $0x2, s0;
	s1 =	smul.u32 $0x19, s2  }
0xa: {  	s4 =	sadd.s32 $0x1A000, s6;
	s5 =	sadd.s32 $0x800, s6;
	s7 =	sshrl.u32 s0, $0x1  }
0xb: {  	_ =	strace $0x80000047;
	s0 =	ssub.s32 s0, s7;
	s1 =	sadd.s32 s1, s6  }
0xc: {  	s8 =	smax.u32 s0, $0x1;
	s6 =	sadd.s32 $0xDD600, s6;
	s7 =	sadd.s32 $0x1000, s1  }
.LBB2_1:
0xd: {  	s0 =	simm.s32 $0xC8  }
0xe: {  	[tilespmem:s3], [sflag:$0x5] =	stream.strided.gather [hbm4b:s7+s9], $0x3400, s0, s9, $0x38;
	[tilespmem:$0xB600] =	vst v63  }
0xf: {  	_ =	swait.ge [sflag:s11], $0x3400  }
0x10: {  	[sflag:s11] =	ssyncset.done $0x0  }
0x11: {  	[sflag:s11] =	ssyncadd.s32 $0xFFFFCC00  }
0x12: {  	[tilespmem:s12], [sflag:$0x5] =	stream.linear.gather [hbm4b:s5+s3], $0x1A00, $0x38;
	[tilespmem:$0xB600] =	vst v63  }
0x13: {  	_ =	swait.ge [sflag:s11], $0x1A00  }
0x14: {  	[sflag:s11] =	ssyncset.done $0x0  }
0x15: {  	s24 =	simm.s32 $0x0;
	[sflag:s11] =	ssyncadd.s32 $0xFFFFE600  }
0x16: {  	[tilespmem:s13], [sflag:$0x1] =	stream.indirect.gather [hbm4b:s4+s9], $0x40, s3, s9, $0xb8;
	[tilespmem:$0xB600] =	vst v63  }
.LBB2_2:
0x17: {  	s25 =	sshllo.u32 s24, $0x1  }
0x18: {  	s0 =	smul.u32 $0x1A0, s25;
	_ =	sdelay $0x1  }
0x19: {  	s0 =	sshra.s32 s0, $0x2  }
0x1a: {  	[tilespmem:s14], [sflag:$0x2] =	stream.indirect.gather [hbm4b:s4+s9], $0x40, s0, s9, $0xb8;
	[tilespmem:$0xB600] =	vst v63  }
0x1b: {  	_ =	swait.ge [sflag:s15], $0x1A00  }
0x1c: {  	p0 =	seq.s32 s24, $0x0;
	[sflag:s15] =	ssyncset.done $0x0  }
0x1d: {  	s0 =	simm.s32 @!p0 $0x3;
	[sflag:s15] =	ssyncadd.s32 $0xFFFFE600  }
0x1e: {  	_ =	swait.ge @!p0 [sflag:s0], $0x1A00  }
0x1f: {  	[sflag:s0] =	ssyncset.done @!p0 $0x0  }
0x20: {  	s26 =	simm.s32 $0x4F00;
	[sflag:s0] =	ssyncadd.s32 @!p0 $0xFFFFE600  }
0x21: {  	s28 =	simm.s32 $0x3500;
	v0 =	vld [tilespmem:s26+$0x80]  }
0x22: {  	v1 =	vld [tilespmem:s28+$0x80];
	_ =	sdelay $0x2  }
0x23: {  	v2 =	vld [tilespmem:s26+$0xFFFFFF80]  }
0x24: {  	v3 =	vld [tilespmem:s28+$0xFFFFFF80]  }
0x25: {  	v4 =	vld [tilespmem:s28+$0xFFFFFF00];
	v0 =	vadd.f32 v1, v0  }
0x26: {  	s29 =	simm.s32 $0x8300;
	v1 =	vld [tilespmem:s26+$0xFFFFFF00]  }
0x27: {  	[tilespmem:s29+$0x80] =	vst v0  }
0x28: {  	v0 =	vld [tilespmem:s26+$0x90]  }
0x29: {  	v2 =	vadd.f32 v3, v2;
	v3 =	vld [tilespmem:s28+$0x90]  }
0x2a: {  	v5 =	vld [tilespmem:s26+$0x0]  }
0x2b: {  	v6 =	vld [tilespmem:s28+$0x0];
	[tilespmem:s29+$0xFFFFFF80] =	vst v2;
	v1 =	vadd.f32 v4, v1  }
0x2c: {  	v2 =	vld [tilespmem:s26+$0xFFFFFF90]  }
0x2d: {  	v4 =	vld [tilespmem:s28+$0xFFFFFF90];
	[tilespmem:s29+$0xFFFFFF00] =	vst v1  }
0x2e: {  	v1 =	vld [tilespmem:s26+$0xFFFFFF10];
	v0 =	vadd.f32 v3, v0  }
0x2f: {  	v3 =	vld [tilespmem:s28+$0xFFFFFF10]  }
0x30: {  	v5 =	vadd.f32 v6, v5;
	[tilespmem:s29+$0x90] =	vst v0  }
0x31: {  	v0 =	vld [tilespmem:s26+$0xA0]  }
0x32: {  	[tilespmem:s29+$0x0] =	vst v5;
	v2 =	vadd.f32 v4, v2;
	v4 =	vld [tilespmem:s28+$0xA0]  }
0x33: {  	v5 =	vld [tilespmem:s26+$0x10]  }
0x34: {  	v6 =	vld [tilespmem:s28+$0x10];
	[tilespmem:s29+$0xFFFFFF90] =	vst v2;
	v1 =	vadd.f32 v3, v1  }
0x35: {  	v2 =	vld [tilespmem:s26+$0xFFFFFFA0]  }
0x36: {  	v3 =	vld [tilespmem:s28+$0xFFFFFFA0];
	[tilespmem:s29+$0xFFFFFF10] =	vst v1  }
0x37: {  	v1 =	vld [tilespmem:s26+$0xFFFFFF20];
	v0 =	vadd.f32 v4, v0  }
0x38: {  	v4 =	vld [tilespmem:s28+$0xFFFFFF20]  }
0x39: {  	v5 =	vadd.f32 v6, v5;
	[tilespmem:s29+$0xA0] =	vst v0  }
0x3a: {  	v0 =	vld [tilespmem:s26+$0xB0]  }
0x3b: {  	[tilespmem:s29+$0x10] =	vst v5;
	v2 =	vadd.f32 v3, v2;
	v3 =	vld [tilespmem:s28+$0xB0]  }
0x3c: {  	v5 =	vld [tilespmem:s26+$0x20]  }
0x3d: {  	[tilespmem:s29+$0xFFFFFFA0] =	vst v2;
	v2 =	vld [tilespmem:s28+$0x20];
	v1 =	vadd.f32 v4, v1  }
0x3e: {  	v4 =	vld [tilespmem:s26+$0xFFFFFFB0]  }
0x3f: {  	v6 =	vld [tilespmem:s28+$0xFFFFFFB0];
	[tilespmem:s29+$0xFFFFFF20] =	vst v1  }
0x40: {  	v1 =	vld [tilespmem:s26+$0xFFFFFF30];
	v0 =	vadd.f32 v3, v0  }
0x41: {  	v3 =	vld [tilespmem:s28+$0xFFFFFF30]  }
0x42: {  	v2 =	vadd.f32 v2, v5;
	[tilespmem:s29+$0xB0] =	vst v0  }
0x43: {  	v0 =	vld [tilespmem:s26+$0xC0]  }
0x44: {  	v4 =	vadd.f32 v6, v4;
	[tilespmem:s29+$0x20] =	vst v2;
	v2 =	vld [tilespmem:s28+$0xC0]  }
0x45: {  	v5 =	vld [tilespmem:s26+$0x30]  }
0x46: {  	[tilespmem:s29+$0xFFFFFFB0] =	vst v4;
	v1 =	vadd.f32 v3, v1;
	v3 =	vld [tilespmem:s28+$0x30]  }
0x47: {  	v4 =	vld [tilespmem:s26+$0xFFFFFFC0]  }
0x48: {  	[tilespmem:s29+$0xFFFFFF30] =	vst v1;
	v1 =	vld [tilespmem:s28+$0xFFFFFFC0]  }
0x49: {  	v6 =	vld [tilespmem:s26+$0xFFFFFF40];
	v0 =	vadd.f32 v2, v0  }
0x4a: {  	v2 =	vld [tilespmem:s28+$0xFFFFFF40]  }
0x4b: {  	v3 =	vadd.f32 v3, v5;
	[tilespmem:s29+$0xC0] =	vst v0  }
0x4c: {  	v0 =	vld [tilespmem:s26+$0xD0]  }
0x4d: {  	v1 =	vadd.f32 v1, v4;
	[tilespmem:s29+$0x30] =	vst v3;
	v3 =	vld [tilespmem:s28+$0xD0]  }
0x4e: {  	v4 =	vld [tilespmem:s26+$0x40]  }
0x4f: {  	v2 =	vadd.f32 v2, v6;
	[tilespmem:s29+$0xFFFFFFC0] =	vst v1;
	v1 =	vld [tilespmem:s28+$0x40]  }
0x50: {  	v5 =	vld [tilespmem:s26+$0xFFFFFFD0]  }
0x51: {  	[tilespmem:s29+$0xFFFFFF40] =	vst v2;
	v2 =	vld [tilespmem:s28+$0xFFFFFFD0]  }
0x52: {  	v6 =	vld [tilespmem:s26+$0xFFFFFF50];
	v0 =	vadd.f32 v3, v0  }
0x53: {  	v3 =	vld [tilespmem:s28+$0xFFFFFF50]  }
0x54: {  	v1 =	vadd.f32 v1, v4;
	[tilespmem:s29+$0xD0] =	vst v0  }
0x55: {  	v7 =	vld [tilespmem:s26+$0xE0]  }
0x56: {  	v0 =	vadd.f32 v2, v5;
	v5 =	vld [tilespmem:s28+$0xE0];
	[tilespmem:s29+$0x40] =	vst v1  }
0x57: {  	v1 =	vld [tilespmem:s26+$0x50]  }
0x58: {  	v2 =	vadd.f32 v3, v6;
	[tilespmem:s29+$0xFFFFFFD0] =	vst v0;
	v4 =	vld [tilespmem:s28+$0x50]  }
0x59: {  	v0 =	vld [tilespmem:s26+$0xFFFFFFE0]  }
0x5a: {  	v3 =	vld [tilespmem:s28+$0xFFFFFFE0];
	[tilespmem:s29+$0xFFFFFF50] =	vst v2  }
0x5b: {  	s30 =	sshll.u32 s24, $0x1;
	s1 =	simm.s32 $0x0;
	v2 =	vld [tilespmem:s26+$0xFFFFFF60];
	v6 =	vadd.f32 v5, v7  }
0x5c: {  	s10 =	simm.s32 $0x3500;
	s31 =	simm.s32 $0x8300;
	s0 =	simm.s32 $0x5100;
	v5 =	vld [tilespmem:s28+$0xFFFFFF60]  }
.LBB2_3:
0x5d: {  	v7 =	vld [tilespmem:s0+$0x80];
	v1 =	vadd.f32 v4, v1;
	[tilespmem:s29+$0xE0] =	vst v6  }
0x5e: {  	v4 =	vld [tilespmem:s26+$0xF0]  }
0x5f: {  	s10 =	sadd.s32 $0x200, s10;
	v0 =	vadd.f32 v3, v0;
	[tilespmem:s29+$0x50] =	vst v1;
	v1 =	vld [tilespmem:s28+$0xF0]  }
0x60: {  	v3 =	vld [tilespmem:s10+$0x80]  }
0x61: {  	v6 =	vld [tilespmem:s10+$0xFFFFFF00];
	v2 =	vadd.f32 v5, v2;
	[tilespmem:s29+$0xFFFFFFE0] =	vst v0  }
0x62: {  	v0 =	vld [tilespmem:s0+$0xFFFFFF80]  }
0x63: {  	v5 =	vld [tilespmem:s10+$0xFFFFFF80];
	[tilespmem:s29+$0xFFFFFF60] =	vst v2  }
0x64: {  	v2 =	vld [tilespmem:s0+$0x0];
	v1 =	vadd.f32 v1, v4  }
0x65: {  	v4 =	vld [tilespmem:s10+$0x0];
	v3 =	vadd.f32 v3, v7  }
0x66: {  	s29 =	sadd.s32 $0x200, s29;
	v7 =	vld [tilespmem:s0+$0xFFFFFF00];
	[tilespmem:s31+$0xF0] =	vst v1  }
0x67: {  	s1 =	sadd.s32 $0x4, s1;
	[tilespmem:s29+$0x80] =	vst v3;
	v1 =	vld [tilespmem:s26+$0x60]  }
0x68: {  	p1 =	slt.u32 s1, $0x30;
	v0 =	vadd.f32 v5, v0;
	v3 =	vld [tilespmem:s0+$0x90]  }
0x69: {  	v5 =	vld [tilespmem:s10+$0x90]  }
0x6a: {  	[tilespmem:s29+$0xFFFFFF80] =	vst v0;
	v0 =	vadd.f32 v4, v2;
	v2 =	vld [tilespmem:s28+$0x60]  }
0x6b: {  	v4 =	vadd.f32 v6, v7;
	v6 =	vld [tilespmem:s0+$0xFFFFFF90]  }
0x6c: {  	v7 =	vld [tilespmem:s10+$0xFFFFFF90];
	[tilespmem:s29+$0x0] =	vst v0  }
0x6d: {  	[tilespmem:s29+$0xFFFFFF00] =	vst v4;
	v0 =	vld [tilespmem:s0+$0x10]  }
0x6e: {  	v4 =	vld [tilespmem:s0+$0xFFFFFF10];
	v3 =	vadd.f32 v5, v3  }
0x6f: {  	v5 =	vld [tilespmem:s10+$0xFFFFFF10];
	v1 =	vadd.f32 v2, v1  }
0x70: {  	v2 =	vld [tilespmem:s10+$0x10];
	[tilespmem:s29+$0x90] =	vst v3  }
0x71: {  	v3 =	vadd.f32 v7, v6;
	v6 =	vld [tilespmem:s0+$0xA0];
	[tilespmem:s31+$0x60] =	vst v1  }
0x72: {  	v1 =	vld [tilespmem:s10+$0xA0]  }
0x73: {  	[tilespmem:s29+$0xFFFFFF90] =	vst v3;
	v3 =	vld [tilespmem:s26+$0xFFFFFF70]  }
0x74: {  	v4 =	vadd.f32 v5, v4;
	v5 =	vld [tilespmem:s0+$0xFFFFFFA0]  }
0x75: {  	v7 =	vld [tilespmem:s10+$0xFFFFFFA0];
	v0 =	vadd.f32 v2, v0  }
0x76: {  	[tilespmem:s29+$0xFFFFFF10] =	vst v4;
	v2 =	vld [tilespmem:s28+$0xFFFFFF70]  }
0x77: {  	v4 =	vld [tilespmem:s0+$0xFFFFFF20];
	[tilespmem:s29+$0x10] =	vst v0;
	v0 =	vadd.f32 v1, v6  }
0x78: {  	v1 =	vld [tilespmem:s10+$0xFFFFFF20]  }
0x79: {  	v6 =	vld [tilespmem:s0+$0x20];
	[tilespmem:s29+$0xA0] =	vst v0  }
0x7a: {  	v0 =	vadd.f32 v7, v5;
	v5 =	vld [tilespmem:s0+$0xB0]  }
0x7b: {  	v7 =	vld [tilespmem:s10+$0xB0];
	v2 =	vadd.f32 v2, v3  }
0x7c: {  	[tilespmem:s29+$0xFFFFFFA0] =	vst v0;
	v0 =	vld [tilespmem:s10+$0x20]  }
0x7d: {  	v1 =	vadd.f32 v1, v4;
	v3 =	vld [tilespmem:s0+$0xFFFFFFB0];
	[tilespmem:s31+$0xFFFFFF70] =	vst v2  }
0x7e: {  	v2 =	vld [tilespmem:s10+$0xFFFFFFB0]  }
0x7f: {  	[tilespmem:s29+$0xFFFFFF20] =	vst v1;
	v1 =	vld [tilespmem:s26+$0xFFFFFFF0]  }
0x80: {  	v4 =	vld [tilespmem:s0+$0xFFFFFF30];
	v5 =	vadd.f32 v7, v5  }
0x81: {  	v7 =	vld [tilespmem:s10+$0xFFFFFF30];
	v0 =	vadd.f32 v0, v6  }
0x82: {  	[tilespmem:s29+$0xB0] =	vst v5;
	v5 =	vld [tilespmem:s28+$0xFFFFFFF0]  }
0x83: {  	v2 =	vadd.f32 v2, v3;
	[tilespmem:s29+$0x20] =	vst v0;
	v0 =	vld [tilespmem:s0+$0xC0]  }
0x84: {  	v3 =	vld [tilespmem:s10+$0xC0]  }
0x85: {  	[tilespmem:s29+$0xFFFFFFB0] =	vst v2;
	v2 =	vld [tilespmem:s0+$0x30]  }
0x86: {  	v4 =	vadd.f32 v7, v4;
	v6 =	vld [tilespmem:s10+$0x30]  }
0x87: {  	v7 =	vld [tilespmem:s0+$0xFFFFFFC0];
	v1 =	vadd.f32 v5, v1  }
0x88: {  	[tilespmem:s29+$0xFFFFFF30] =	vst v4;
	v4 =	vld [tilespmem:s10+$0xFFFFFFC0]  }
0x89: {  	v5 =	vld [tilespmem:s0+$0xFFFFFF40];
	v0 =	vadd.f32 v3, v0;
	[tilespmem:s31+$0xFFFFFFF0] =	vst v1  }
0x8a: {  	v1 =	vld [tilespmem:s10+$0xFFFFFF40]  }
0x8b: {  	v2 =	vadd.f32 v6, v2;
	[tilespmem:s29+$0xC0] =	vst v0;
	v3 =	vld [tilespmem:s26+$0x70];
	s26 =	smov.u32 s0  }
0x8c: {  	v0 =	vld [tilespmem:s0+$0xD0]  }
0x8d: {  	v4 =	vadd.f32 v4, v7;
	[tilespmem:s29+$0x30] =	vst v2;
	v2 =	vld [tilespmem:s10+$0xD0]  }
0x8e: {  	v6 =	vld [tilespmem:s0+$0x40]  }
0x8f: {  	v1 =	vadd.f32 v1, v5;
	[tilespmem:s29+$0xFFFFFFC0] =	vst v4;
	v4 =	vld [tilespmem:s10+$0x40]  }
0x90: {  	v5 =	vld [tilespmem:s0+$0xFFFFFFD0]  }
0x91: {  	[tilespmem:s29+$0xFFFFFF40] =	vst v1;
	v1 =	vld [tilespmem:s10+$0xFFFFFFD0]  }
0x92: {  	v7 =	vld [tilespmem:s0+$0xFFFFFF50];
	v0 =	vadd.f32 v2, v0  }
0x93: {  	v2 =	vld [tilespmem:s10+$0xFFFFFF50]  }
0x94: {  	v4 =	vadd.f32 v4, v6;
	[tilespmem:s29+$0xD0] =	vst v0;
	v6 =	vld [tilespmem:s28+$0x70];
	s28 =	smov.u32 s10  }
0x95: {  	v8 =	vld [tilespmem:s0+$0xE0]  }
0x96: {  	v0 =	vadd.f32 v1, v5;
	[tilespmem:s29+$0x40] =	vst v4;
	v5 =	vld [tilespmem:s10+$0xE0]  }
0x97: {  	v1 =	vld [tilespmem:s0+$0x50]  }
.Ltmp0:
0x98: {  	v2 =	vadd.f32 v2, v7;
	[tilespmem:s29+$0xFFFFFFD0] =	vst v0;
	v4 =	vld [tilespmem:s10+$0x50];
	(pc) =	sbr.rel @p1 .LBB2_3-.Ltmp0, $4  }
0x99: {  	v0 =	vld [tilespmem:s0+$0xFFFFFFE0];
	v7 =	vadd.f32 v6, v3  }
0x9a: {  	[tilespmem:s29+$0xFFFFFF50] =	vst v2;
	v3 =	vld [tilespmem:s10+$0xFFFFFFE0]  }
0x9b: {  	v2 =	vld [tilespmem:s0+$0xFFFFFF60];
	v6 =	vadd.f32 v5, v8;
	[tilespmem:s31+$0x70] =	vst v7;
	s31 =	smov.u32 s29  }
0x9c: {  	s0 =	sadd.s32 $0x200, s0;
	v5 =	vld [tilespmem:s10+$0xFFFFFF60]  }
0x9d: {  	v1 =	vadd.f32 v4, v1;
	_ =	sdelay $0x1  }
0x9e: {  	[tilespmem:s29+$0x50] =	vst v1  }
0x9f: {  	v1 =	vld [tilespmem:s26+$0x60]  }
0xa0: {  	v55 =	vld [tilespmem:s28+$0x60]  }
0xa1: {  	[tilespmem:s29+$0xE0] =	vst v6;
	v0 =	vadd.f32 v3, v0  }
0xa2: {  	v56 =	vld [tilespmem:s26+$0xF0]  }
0xa3: {  	v57 =	vld [tilespmem:s28+$0xF0];
	v2 =	vadd.f32 v5, v2;
	[tilespmem:s29+$0xFFFFFFE0] =	vst v0  }
0xa4: {  	v60 =	vld [tilespmem:s26+$0xFFFFFFF0]  }
0xa5: {  	v61 =	vld [tilespmem:s28+$0xFFFFFFF0];
	[tilespmem:s29+$0xFFFFFF60] =	vst v2;
	v58 =	vadd.f32 v55, v1  }
0xa6: {  	v2 =	vld [tilespmem:s26+$0xFFFFFF70]  }
0xa7: {  	v59 =	vld [tilespmem:s28+$0xFFFFFF70];
	[tilespmem:s31+$0x60] =	vst v58  }
0xa8: {  	v62 =	vld [tilespmem:s26+$0x70]  }
0xa9: {  	v7 =	vld [tilespmem:s28+$0x70];
	_ =	sdelay $0x1  }
0xaa: {  	v3 =	vadd.f32 v57, v56  }
0xab: {  	p1 =	sne.s32 s24, $0x3F;
	v0 =	vadd.f32 v61, v60  }
.Ltmp1:
0xac: {  	[tilespmem:s31+$0xF0] =	vst v3;
	v1 =	vadd.f32 v59, v2;
	(pc) =	sbr.rel @p1 .LBB2_6-.Ltmp1, $4  }
0xad: {  	s0 =	sadd.s32 s2, s30;
	[tilespmem:s31+$0xFFFFFFF0] =	vst v0;
	v63 =	vadd.f32 v7, v62  }
0xae: {  	s0 =	sshll.u32 s0, $0x4;
	[tilespmem:s31+$0xFFFFFF70] =	vst v1  }
0xaf: {  	s0 =	sadd.s32 s6, s0;
	[tilespmem:s31+$0x70] =	vst v63  }
0xb0: {  	[hbm4b:s0+s16] =	stream.strided.scatter [tilespmem:s18], [sflag:$0x3], $0x1A00, s17, s16, $0x38;
	[tilespmem:$0xB600] =	vst v63  }
.Ltmp2:
0xb1: {  	(pc) =	sbr.rel .LBB2_7-.Ltmp2, $4  }
0xb2: {  	_ = 	snop  }
0xb3: {  	_ =	swait.ge [sflag:s19], $0x1A00  }
0xb4: {  	[sflag:s19] =	ssyncset.done $0x0  }
0xb5: {  	[sflag:s19] =	ssyncadd.s32 $0xFFFFE600  }
.LBB2_6:
0xb6: {  	s0 =	smul.u32 $0x340, s24;
	_ =	sdelay $0x1  }
0xb7: {  	s0 =	sshra.s32 s0, $0x2  }
.Ltmp3:
0xb8: {  	s0 =	sadd.s32 $0xD0, s0;
	(pc) =	sbr.rel @p0 .LBB2_8-.Ltmp3, $4  }
0xb9: {  	[tilespmem:s13], [sflag:$0x1] =	stream.indirect.gather [hbm4b:s4+s9], $0x40, s0, s9, $0xb8;
	[tilespmem:$0xB600] =	vst v63  }
0xba: {  	_ =	swait.ge [sflag:s19], $0x1A00  }
0xbb: {  	[sflag:s19] =	ssyncset.done $0x0  }
0xbc: {  	[sflag:s19] =	ssyncadd.s32 $0xFFFFE600  }
.LBB2_7:
0xbd: {  	_ =	swait.ge [sflag:s20], $0x1A00  }
0xbe: {  	[sflag:s20] =	ssyncset.done $0x0  }
0xbf: {  	[sflag:s20] =	ssyncadd.s32 $0xFFFFE600  }
.LBB2_8:
0xc0: {  	s26 =	simm.s32 $0x6900  }
0xc1: {  	s28 =	simm.s32 $0x3500;
	v0 =	vld [tilespmem:s26+$0x80]  }
0xc2: {  	v1 =	vld [tilespmem:s28+$0x80];
	_ =	sdelay $0x2  }
0xc3: {  	v2 =	vld [tilespmem:s26+$0xFFFFFF80]  }
0xc4: {  	v3 =	vld [tilespmem:s28+$0xFFFFFF80]  }
0xc5: {  	v4 =	vld [tilespmem:s28+$0xFFFFFF00];
	v0 =	vadd.f32 v1, v0  }
0xc6: {  	s29 =	simm.s32 $0x9D00;
	v1 =	vld [tilespmem:s26+$0xFFFFFF00]  }
0xc7: {  	[tilespmem:s29+$0x80] =	vst v0  }
0xc8: {  	v0 =	vld [tilespmem:s26+$0x90]  }
0xc9: {  	v2 =	vadd.f32 v3, v2;
	v3 =	vld [tilespmem:s28+$0x90]  }
0xca: {  	v5 =	vld [tilespmem:s26+$0x0]  }
0xcb: {  	v6 =	vld [tilespmem:s28+$0x0];
	[tilespmem:s29+$0xFFFFFF80] =	vst v2;
	v1 =	vadd.f32 v4, v1  }
0xcc: {  	v2 =	vld [tilespmem:s26+$0xFFFFFF90]  }
0xcd: {  	v4 =	vld [tilespmem:s28+$0xFFFFFF90];
	[tilespmem:s29+$0xFFFFFF00] =	vst v1  }
0xce: {  	v1 =	vld [tilespmem:s26+$0xFFFFFF10];
	v0 =	vadd.f32 v3, v0  }
0xcf: {  	v3 =	vld [tilespmem:s28+$0xFFFFFF10]  }
0xd0: {  	v5 =	vadd.f32 v6, v5;
	[tilespmem:s29+$0x90] =	vst v0  }
0xd1: {  	v0 =	vld [tilespmem:s26+$0xA0]  }
0xd2: {  	[tilespmem:s29+$0x0] =	vst v5;
	v2 =	vadd.f32 v4, v2;
	v4 =	vld [tilespmem:s28+$0xA0]  }
0xd3: {  	v5 =	vld [tilespmem:s26+$0x10]  }
0xd4: {  	v6 =	vld [tilespmem:s28+$0x10];
	[tilespmem:s29+$0xFFFFFF90] =	vst v2;
	v1 =	vadd.f32 v3, v1  }
0xd5: {  	v2 =	vld [tilespmem:s26+$0xFFFFFFA0]  }
0xd6: {  	v3 =	vld [tilespmem:s28+$0xFFFFFFA0];
	[tilespmem:s29+$0xFFFFFF10] =	vst v1  }
0xd7: {  	v1 =	vld [tilespmem:s26+$0xFFFFFF20];
	v0 =	vadd.f32 v4, v0  }
0xd8: {  	v4 =	vld [tilespmem:s28+$0xFFFFFF20]  }
0xd9: {  	v5 =	vadd.f32 v6, v5;
	[tilespmem:s29+$0xA0] =	vst v0  }
0xda: {  	v0 =	vld [tilespmem:s26+$0xB0]  }
0xdb: {  	[tilespmem:s29+$0x10] =	vst v5;
	v2 =	vadd.f32 v3, v2;
	v3 =	vld [tilespmem:s28+$0xB0]  }
0xdc: {  	v5 =	vld [tilespmem:s26+$0x20]  }
0xdd: {  	[tilespmem:s29+$0xFFFFFFA0] =	vst v2;
	v2 =	vld [tilespmem:s28+$0x20];
	v1 =	vadd.f32 v4, v1  }
0xde: {  	v4 =	vld [tilespmem:s26+$0xFFFFFFB0]  }
0xdf: {  	v6 =	vld [tilespmem:s28+$0xFFFFFFB0];
	[tilespmem:s29+$0xFFFFFF20] =	vst v1  }
0xe0: {  	v1 =	vld [tilespmem:s26+$0xFFFFFF30];
	v0 =	vadd.f32 v3, v0  }
0xe1: {  	v3 =	vld [tilespmem:s28+$0xFFFFFF30]  }
0xe2: {  	v2 =	vadd.f32 v2, v5;
	[tilespmem:s29+$0xB0] =	vst v0  }
0xe3: {  	v0 =	vld [tilespmem:s26+$0xC0]  }
0xe4: {  	v4 =	vadd.f32 v6, v4;
	[tilespmem:s29+$0x20] =	vst v2;
	v2 =	vld [tilespmem:s28+$0xC0]  }
0xe5: {  	v5 =	vld [tilespmem:s26+$0x30]  }
0xe6: {  	[tilespmem:s29+$0xFFFFFFB0] =	vst v4;
	v1 =	vadd.f32 v3, v1;
	v3 =	vld [tilespmem:s28+$0x30]  }
0xe7: {  	v4 =	vld [tilespmem:s26+$0xFFFFFFC0]  }
0xe8: {  	[tilespmem:s29+$0xFFFFFF30] =	vst v1;
	v1 =	vld [tilespmem:s28+$0xFFFFFFC0]  }
0xe9: {  	v6 =	vld [tilespmem:s26+$0xFFFFFF40];
	v0 =	vadd.f32 v2, v0  }
0xea: {  	v2 =	vld [tilespmem:s28+$0xFFFFFF40]  }
0xeb: {  	v3 =	vadd.f32 v3, v5;
	[tilespmem:s29+$0xC0] =	vst v0  }
0xec: {  	v0 =	vld [tilespmem:s26+$0xD0]  }
0xed: {  	v1 =	vadd.f32 v1, v4;
	[tilespmem:s29+$0x30] =	vst v3;
	v3 =	vld [tilespmem:s28+$0xD0]  }
0xee: {  	v4 =	vld [tilespmem:s26+$0x40]  }
0xef: {  	v2 =	vadd.f32 v2, v6;
	[tilespmem:s29+$0xFFFFFFC0] =	vst v1;
	v1 =	vld [tilespmem:s28+$0x40]  }
0xf0: {  	v5 =	vld [tilespmem:s26+$0xFFFFFFD0]  }
0xf1: {  	[tilespmem:s29+$0xFFFFFF40] =	vst v2;
	v2 =	vld [tilespmem:s28+$0xFFFFFFD0]  }
0xf2: {  	v6 =	vld [tilespmem:s26+$0xFFFFFF50];
	v0 =	vadd.f32 v3, v0  }
0xf3: {  	v3 =	vld [tilespmem:s28+$0xFFFFFF50]  }
0xf4: {  	v1 =	vadd.f32 v1, v4;
	[tilespmem:s29+$0xD0] =	vst v0  }
0xf5: {  	v7 =	vld [tilespmem:s26+$0xE0]  }
0xf6: {  	v0 =	vadd.f32 v2, v5;
	v5 =	vld [tilespmem:s28+$0xE0];
	[tilespmem:s29+$0x40] =	vst v1  }
0xf7: {  	v1 =	vld [tilespmem:s26+$0x50]  }
0xf8: {  	v2 =	vadd.f32 v3, v6;
	[tilespmem:s29+$0xFFFFFFD0] =	vst v0;
	v4 =	vld [tilespmem:s28+$0x50]  }
0xf9: {  	v0 =	vld [tilespmem:s26+$0xFFFFFFE0]  }
0xfa: {  	v3 =	vld [tilespmem:s28+$0xFFFFFFE0];
	[tilespmem:s29+$0xFFFFFF50] =	vst v2  }
0xfb: {  	s1 =	simm.s32 $0x0;
	v2 =	vld [tilespmem:s26+$0xFFFFFF60];
	v6 =	vadd.f32 v5, v7  }
0xfc: {  	s0 =	simm.s32 $0x6B00;
	s10 =	simm.s32 $0x3500;
	s30 =	simm.s32 $0x9D00;
	v5 =	vld [tilespmem:s28+$0xFFFFFF60]  }
.LBB2_9:
0xfd: {  	v7 =	vld [tilespmem:s0+$0x80];
	v1 =	vadd.f32 v4, v1;
	[tilespmem:s29+$0xE0] =	vst v6  }
0xfe: {  	v4 =	vld [tilespmem:s26+$0xF0]  }
0xff: {  	s10 =	sadd.s32 $0x200, s10;
	v0 =	vadd.f32 v3, v0;
	[tilespmem:s29+$0x50] =	vst v1;
	v1 =	vld [tilespmem:s28+$0xF0]  }
0x100: {  	v3 =	vld [tilespmem:s10+$0x80]  }
0x101: {  	v6 =	vld [tilespmem:s10+$0xFFFFFF00];
	v2 =	vadd.f32 v5, v2;
	[tilespmem:s29+$0xFFFFFFE0] =	vst v0  }
0x102: {  	v0 =	vld [tilespmem:s0+$0xFFFFFF80]  }
0x103: {  	v5 =	vld [tilespmem:s10+$0xFFFFFF80];
	[tilespmem:s29+$0xFFFFFF60] =	vst v2  }
0x104: {  	v2 =	vld [tilespmem:s0+$0x0];
	v1 =	vadd.f32 v1, v4  }
0x105: {  	v4 =	vld [tilespmem:s10+$0x0];
	v3 =	vadd.f32 v3, v7  }
0x106: {  	s29 =	sadd.s32 $0x200, s29;
	v7 =	vld [tilespmem:s0+$0xFFFFFF00];
	[tilespmem:s30+$0xF0] =	vst v1  }
0x107: {  	s1 =	sadd.s32 $0x4, s1;
	[tilespmem:s29+$0x80] =	vst v3;
	v1 =	vld [tilespmem:s26+$0x60]  }
0x108: {  	p0 =	slt.u32 s1, $0x30;
	v0 =	vadd.f32 v5, v0;
	v3 =	vld [tilespmem:s0+$0x90]  }
0x109: {  	v5 =	vld [tilespmem:s10+$0x90]  }
0x10a: {  	[tilespmem:s29+$0xFFFFFF80] =	vst v0;
	v0 =	vadd.f32 v4, v2;
	v2 =	vld [tilespmem:s28+$0x60]  }
0x10b: {  	v4 =	vadd.f32 v6, v7;
	v6 =	vld [tilespmem:s0+$0xFFFFFF90]  }
0x10c: {  	v7 =	vld [tilespmem:s10+$0xFFFFFF90];
	[tilespmem:s29+$0x0] =	vst v0  }
0x10d: {  	[tilespmem:s29+$0xFFFFFF00] =	vst v4;
	v0 =	vld [tilespmem:s0+$0x10]  }
0x10e: {  	v4 =	vld [tilespmem:s0+$0xFFFFFF10];
	v3 =	vadd.f32 v5, v3  }
0x10f: {  	v5 =	vld [tilespmem:s10+$0xFFFFFF10];
	v1 =	vadd.f32 v2, v1  }
0x110: {  	v2 =	vld [tilespmem:s10+$0x10];
	[tilespmem:s29+$0x90] =	vst v3  }
0x111: {  	v3 =	vadd.f32 v7, v6;
	v6 =	vld [tilespmem:s0+$0xA0];
	[tilespmem:s30+$0x60] =	vst v1  }
0x112: {  	v1 =	vld [tilespmem:s10+$0xA0]  }
0x113: {  	[tilespmem:s29+$0xFFFFFF90] =	vst v3;
	v3 =	vld [tilespmem:s26+$0xFFFFFF70]  }
0x114: {  	v4 =	vadd.f32 v5, v4;
	v5 =	vld [tilespmem:s0+$0xFFFFFFA0]  }
0x115: {  	v7 =	vld [tilespmem:s10+$0xFFFFFFA0];
	v0 =	vadd.f32 v2, v0  }
0x116: {  	[tilespmem:s29+$0xFFFFFF10] =	vst v4;
	v2 =	vld [tilespmem:s28+$0xFFFFFF70]  }
0x117: {  	v4 =	vld [tilespmem:s0+$0xFFFFFF20];
	[tilespmem:s29+$0x10] =	vst v0;
	v0 =	vadd.f32 v1, v6  }
0x118: {  	v1 =	vld [tilespmem:s10+$0xFFFFFF20]  }
0x119: {  	v6 =	vld [tilespmem:s0+$0x20];
	[tilespmem:s29+$0xA0] =	vst v0  }
0x11a: {  	v0 =	vadd.f32 v7, v5;
	v5 =	vld [tilespmem:s0+$0xB0]  }
0x11b: {  	v7 =	vld [tilespmem:s10+$0xB0];
	v2 =	vadd.f32 v2, v3  }
0x11c: {  	[tilespmem:s29+$0xFFFFFFA0] =	vst v0;
	v0 =	vld [tilespmem:s10+$0x20]  }
0x11d: {  	v1 =	vadd.f32 v1, v4;
	v3 =	vld [tilespmem:s0+$0xFFFFFFB0];
	[tilespmem:s30+$0xFFFFFF70] =	vst v2  }
0x11e: {  	v2 =	vld [tilespmem:s10+$0xFFFFFFB0]  }
0x11f: {  	[tilespmem:s29+$0xFFFFFF20] =	vst v1;
	v1 =	vld [tilespmem:s26+$0xFFFFFFF0]  }
0x120: {  	v4 =	vld [tilespmem:s0+$0xFFFFFF30];
	v5 =	vadd.f32 v7, v5  }
0x121: {  	v7 =	vld [tilespmem:s10+$0xFFFFFF30];
	v0 =	vadd.f32 v0, v6  }
0x122: {  	[tilespmem:s29+$0xB0] =	vst v5;
	v5 =	vld [tilespmem:s28+$0xFFFFFFF0]  }
0x123: {  	v2 =	vadd.f32 v2, v3;
	[tilespmem:s29+$0x20] =	vst v0;
	v0 =	vld [tilespmem:s0+$0xC0]  }
0x124: {  	v3 =	vld [tilespmem:s10+$0xC0]  }
0x125: {  	[tilespmem:s29+$0xFFFFFFB0] =	vst v2;
	v2 =	vld [tilespmem:s0+$0x30]  }
0x126: {  	v4 =	vadd.f32 v7, v4;
	v6 =	vld [tilespmem:s10+$0x30]  }
0x127: {  	v7 =	vld [tilespmem:s0+$0xFFFFFFC0];
	v1 =	vadd.f32 v5, v1  }
0x128: {  	[tilespmem:s29+$0xFFFFFF30] =	vst v4;
	v4 =	vld [tilespmem:s10+$0xFFFFFFC0]  }
0x129: {  	v5 =	vld [tilespmem:s0+$0xFFFFFF40];
	v0 =	vadd.f32 v3, v0;
	[tilespmem:s30+$0xFFFFFFF0] =	vst v1  }
0x12a: {  	v1 =	vld [tilespmem:s10+$0xFFFFFF40]  }
0x12b: {  	v2 =	vadd.f32 v6, v2;
	[tilespmem:s29+$0xC0] =	vst v0;
	v3 =	vld [tilespmem:s26+$0x70];
	s26 =	smov.u32 s0  }
0x12c: {  	v0 =	vld [tilespmem:s0+$0xD0]  }
0x12d: {  	v4 =	vadd.f32 v4, v7;
	[tilespmem:s29+$0x30] =	vst v2;
	v2 =	vld [tilespmem:s10+$0xD0]  }
0x12e: {  	v6 =	vld [tilespmem:s0+$0x40]  }
0x12f: {  	v1 =	vadd.f32 v1, v5;
	[tilespmem:s29+$0xFFFFFFC0] =	vst v4;
	v4 =	vld [tilespmem:s10+$0x40]  }
0x130: {  	v5 =	vld [tilespmem:s0+$0xFFFFFFD0]  }
0x131: {  	[tilespmem:s29+$0xFFFFFF40] =	vst v1;
	v1 =	vld [tilespmem:s10+$0xFFFFFFD0]  }
0x132: {  	v7 =	vld [tilespmem:s0+$0xFFFFFF50];
	v0 =	vadd.f32 v2, v0  }
0x133: {  	v2 =	vld [tilespmem:s10+$0xFFFFFF50]  }
0x134: {  	v4 =	vadd.f32 v4, v6;
	[tilespmem:s29+$0xD0] =	vst v0;
	v6 =	vld [tilespmem:s28+$0x70];
	s28 =	smov.u32 s10  }
0x135: {  	v8 =	vld [tilespmem:s0+$0xE0]  }
0x136: {  	v0 =	vadd.f32 v1, v5;
	[tilespmem:s29+$0x40] =	vst v4;
	v5 =	vld [tilespmem:s10+$0xE0]  }
0x137: {  	v1 =	vld [tilespmem:s0+$0x50]  }
.Ltmp4:
0x138: {  	v2 =	vadd.f32 v2, v7;
	[tilespmem:s29+$0xFFFFFFD0] =	vst v0;
	v4 =	vld [tilespmem:s10+$0x50];
	(pc) =	sbr.rel @p0 .LBB2_9-.Ltmp4, $4  }
0x139: {  	v0 =	vld [tilespmem:s0+$0xFFFFFFE0];
	v7 =	vadd.f32 v6, v3  }
0x13a: {  	[tilespmem:s29+$0xFFFFFF50] =	vst v2;
	v3 =	vld [tilespmem:s10+$0xFFFFFFE0]  }
0x13b: {  	v2 =	vld [tilespmem:s0+$0xFFFFFF60];
	v6 =	vadd.f32 v5, v8;
	[tilespmem:s30+$0x70] =	vst v7;
	s30 =	smov.u32 s29  }
0x13c: {  	s0 =	sadd.s32 $0x200, s0;
	v5 =	vld [tilespmem:s10+$0xFFFFFF60]  }
0x13d: {  	v1 =	vadd.f32 v4, v1;
	_ =	sdelay $0x1  }
0x13e: {  	[tilespmem:s29+$0x50] =	vst v1  }
0x13f: {  	v1 =	vld [tilespmem:s26+$0x60]  }
0x140: {  	v55 =	vld [tilespmem:s28+$0x60]  }
0x141: {  	[tilespmem:s29+$0xE0] =	vst v6;
	v0 =	vadd.f32 v3, v0  }
0x142: {  	v56 =	vld [tilespmem:s26+$0xF0]  }
0x143: {  	v57 =	vld [tilespmem:s28+$0xF0];
	v2 =	vadd.f32 v5, v2;
	[tilespmem:s29+$0xFFFFFFE0] =	vst v0  }
0x144: {  	v60 =	vld [tilespmem:s26+$0xFFFFFFF0]  }
0x145: {  	v61 =	vld [tilespmem:s28+$0xFFFFFFF0];
	[tilespmem:s29+$0xFFFFFF60] =	vst v2;
	v58 =	vadd.f32 v55, v1  }
0x146: {  	v2 =	vld [tilespmem:s26+$0xFFFFFF70]  }
0x147: {  	v59 =	vld [tilespmem:s28+$0xFFFFFF70];
	[tilespmem:s30+$0x60] =	vst v58  }
0x148: {  	v62 =	vld [tilespmem:s26+$0x70]  }
0x149: {  	v7 =	vld [tilespmem:s28+$0x70];
	_ =	sdelay $0x1  }
0x14a: {  	s24 =	sadd.s32 $0x1, s24;
	v3 =	vadd.f32 v57, v56  }
0x14b: {  	p0 =	sne.s32 s24, $0x40;
	v0 =	vadd.f32 v61, v60  }
.Ltmp5:
0x14c: {  	[tilespmem:s30+$0xF0] =	vst v3;
	v1 =	vadd.f32 v59, v2;
	(pc) =	sbr.rel @p0 .LBB2_2-.Ltmp5, $4  }
0x14d: {  	s0 =	sadd.s32 s2, s25;
	[tilespmem:s30+$0xFFFFFFF0] =	vst v0;
	v63 =	vadd.f32 v7, v62  }
0x14e: {  	s0 =	sshll.u32 s0, $0x4;
	[tilespmem:s30+$0xFFFFFF70] =	vst v1  }
0x14f: {  	s0 =	sadd.s32 s6, s0;
	[tilespmem:s30+$0x70] =	vst v63  }
0x150: {  	[hbm4b:s0+s16] =	stream.strided.scatter [tilespmem:s21], [sflag:$0x4], $0x1A00, s17, s16, $0x38;
	[tilespmem:$0xB600] =	vst v63  }
0x151: {  	s23 =	sadd.s32 $0x1, s23  }
0x152: {  	_ =	swait.ge [sflag:s22], $0x1A00;
	p0 =	sne.s32 s23, s8  }
.Ltmp6:
0x153: {  	[sflag:s22] =	ssyncset.done $0x0;
	(pc) =	sbr.rel @p0 .LBB2_1-.Ltmp6, $4  }
0x154: {  	[sflag:s22] =	ssyncadd.s32 $0xFFFFE600  }
0x155: {  	_ =	swait.ge [sflag:s20], $0x1A00  }
0x156: {  	[sflag:s20] =	ssyncset.done $0x0  }
0x157: {  	[sflag:s20] =	ssyncadd.s32 $0xFFFFE600  }
0x158: {  	_ =	sfence.sel $0x180000  }
0x159: {  	[bflag:$0x0] =	sbarrier.arrive $0xFFFF  }
0x15a: {  	_ =	strace $0x90000047  }
0x15b: {  	s0 =	stileid.u32;
	[bflag:$0x2] =	sbarrier.arrive $0xFFFF  }
0x15c: {  	p0 =	sne.s32 s0, $0x0;
	s0 =	rddreg [dreg:$0x1]  }
0x15d: {  	s0 =	sadd.s32 @!p0 $0x100000, s0  }
0x15e: {  	[sflag:s0] =	ssyncadd.tile.s32 @!p0 $0x1;
	_ =	shalt  }
.Lfunc_end2:
_tile_overlayer_lowered:
.L_overlay_start_2:
0x15f: {  	(tag) =	ssettag $0x2  }
0x160: {  	s0 =	rddreg [dreg:$0x0];
	s2 =	stileid.u32  }
0x161: {  	s1 =	rddreg [dreg:$0x1];
	p0 =	sne.s32 s2, $0x0  }
0x162: {  	s3 =	rddreg [dreg:$0x2];
	[bflag:$0x3] =	sbarrier.arrive $0xFFFF;
	s2 =	simm.s32 @!p0 $0x1C05  }
0x163: {  	[timem:s3], [sflag:s2] =	dma.local @!p0 [hbm:s0], s1  }
0x164: {  	s0 =	simm.s32 @!p0 $0x5  }
0x165: {  	_ =	swait.ge @!p0 [sflag:s0], s1  }
0x166: {  	s1 =	ssub.s32 @!p0 $0x0, s1;
	[sflag:s0] =	ssyncset.done @!p0 $0x0  }
0x167: {  	[sflag:s0] =	ssyncadd.s32 @!p0 s1  }
0x168: {  	[bflag:$0x3] =	sbarrier.arrive $0xFFFF  }
0x169: {  	_ =	shalt  }

// kernel: kernel.9.cloned.1.call-start
scs
__scs_entry_jumppad:
0x0: {  	(pc) =	sbr.rel $0x88, $3  }
0x1: {  	(tag) =	ssettag $0x0;
	lr =	simm.s32 $0x1  }
0x2: {  	[smem:$0x3F9E] =	sst lr;
	_ =	strace $0xD0000000  }
0x3: {  	_ = 	snop  }
0x4: {  	_ = 	snop  }
0x5: {  	_ = 	snop  }
0x6: {  	_ = 	snop  }
0x7: {  	_ = 	snop  }
__scs_overlays_trampoline_lowered:
0x8: {  	[smem:$0x3FAD] =	sst s0  }
0x9: {  	[smem:$0x3FAE] =	sst s1  }
0xa: {  	[smem:$0x3FAF] =	sst s2  }
0xb: {  	[smem:$0x3FB0] =	sst s3  }
0xc: {  	[smem:$0x3FB1] =	sst s4  }
0xd: {  	[smem:$0x3FB2] =	sst s5  }
0xe: {  	[smem:$0x3FB3] =	sst s6  }
0xf: {  	[smem:$0x3FB4] =	sst s7  }
0x10: {  	[smem:$0x3FB5] =	sst s8  }
0x11: {  	[smem:$0x3FB6] =	sst s9;
	s0 =	simm.s32 @!p0 $0x0  }
0x12: {  	s1 =	sld [smem:$0x3F9C];
	s0 =	simm.s32 @p0 $0x1  }
0x13: {  	[smem:$0x3FB7] =	sst s0;
	s0 =	simm.s32 @!p1 $0x0  }
0x14: {  	s2 =	sld [smem:$0x3F9B];
	s0 =	simm.s32 @p1 $0x1  }
0x15: {  	[smem:$0x3FB8] =	sst s0;
	s0 =	simm.s32 @!p2 $0x0  }
0x16: {  	s3 =	sld [smem:$0x3FDB];
	s0 =	simm.s32 @p2 $0x1  }
0x17: {  	s4 =	simm.s32 $0x1BF5;
	[smem:$0x3FBA] =	sst s0  }
0x18: {  	s0 =	sld [smem:$0x3F9D];
	_ =	swait.ge [sflag:s4], $0x0  }
0x19: {  	s7 =	sld [smem:$0x3F9E]  }
0x1a: {  	s8 =	sadd.s32 $0xFFFFE003, lr  }
0x1b: {  	s9 =	sadd.s32 $0xFFFFFEF7, lr;
	s5 =	simm.s32 $0xFFFFFFFF;
	p2 =	slt.u32 s8, $0xFFFFF086  }
0x1c: {  	p1 =	slt.u32 s9, $0xF7A;
	s5 =	simm.s32 @!p2 $0x0  }
0x1d: {  	s5 =	simm.s32 @p1 $0x1;
	p0 =	seq.s32 s7, s2  }
0x1e: {  	s7 =	smul.u32 @!p0 $0xF7A, s2;
	p2 =	seq.s32 @!p0 s5, $0x0  }
0x1f: {  	s9 =	smul.u32 $0xF7A, s1;
	s8 =	simm.s32 @!p0 $0x1BF5;
	p2 =	por !p2, p0  }
0x20: {  	[sflag:s8] =	ssyncset.s32 @!p0 $0xFFFFF086;
	s6 =	sadd.s32 @!p0 s3, s7;
	s7 =	simm.s32 @!p0 $0x108  }
0x21: {  	s3 =	sadd.s32 s3, s9;
	s6 =	sadd.s32 @!p0 $0x88, s6;
	s7 =	simm.s32 @p2 $0x1082  }
0x22: {  	[simem:s7], [sflag:s8] =	dma.local @!p0 [hbm:s6], $0xF7A  }
0x23: {  	s9 =	sor.u32 $0xD0000000, s2;
	s6 =	simm.s32 $0x108;
	_ =	swait.ge @!p0 [sflag:s8], $0x0  }
0x24: {  	s3 =	sadd.s32 $0x88, s3;
	s6 =	simm.s32 @!p1 $0x1082;
	[sflag:s4] =	ssyncset.s32 $0xFFFFF086  }
0x25: {  	[simem:s6], [sflag:s4] =	dma.local [hbm:s3], $0xF7A  }
0x26: {  	[smem:$0x3F9E] =	sst s1;
	(tag) =	ssettag s2;
	_ =	strace s9  }
0x27: {  	s1 =	sld [smem:$0x3FAE]  }
0x28: {  	s2 =	sld [smem:$0x3FAF]  }
0x29: {  	s4 =	sld [smem:$0x3FB1]  }
0x2a: {  	p0 =	seq.s32 s5, $0x0;
	s5 =	sld [smem:$0x3FB2]  }
0x2b: {  	s6 =	sld [smem:$0x3FB3]  }
0x2c: {  	s7 =	sld [smem:$0x3FB4]  }
0x2d: {  	s3 =	simm.s32 $0x108;
	s8 =	sld [smem:$0x3FB5]  }
0x2e: {  	s3 =	simm.s32 @!p0 $0x1082;
	s9 =	sld [smem:$0x3FB6]  }
0x2f: {  	lr =	sadd.s32 s0, s3;
	s0 =	sld [smem:$0x3FAD]  }
0x30: {  	s3 =	sld [smem:$0x3FB0]  }
0x31: {  	[smem:$0x3FB9] =	sst s10  }
0x32: {  	s10 =	sld [smem:$0x3FB7];
	_ =	sdelay $0x3  }
0x33: {  	p0 =	seq.s32 s10, $0x1;
	s10 =	sld [smem:$0x3FB9];
	_ =	sdelay $0x3  }
0x34: {  	[smem:$0x3FB9] =	sst s10  }
0x35: {  	s10 =	sld [smem:$0x3FB8];
	_ =	sdelay $0x3  }
0x36: {  	p1 =	seq.s32 s10, $0x1;
	s10 =	sld [smem:$0x3FB9];
	_ =	sdelay $0x3  }
0x37: {  	[smem:$0x3FB9] =	sst s10  }
0x38: {  	s10 =	sld [smem:$0x3FBA]  }
0x39: {  	_ = 	snop;
	(pc) =	sbr.ind lr, $3  }
0x3a: {  	_ = 	snop  }
0x3b: {  	_ = 	snop  }
0x3c: {  	p2 =	seq.s32 s10, $0x1;
	s10 =	sld [smem:$0x3FB9]  }
0x3d: {  	_ =	shalt  }
0x3e: {  	_ =	shalt  }
0x3f: {  	_ =	shalt  }
0x40: {  	_ =	shalt  }
0x41: {  	_ =	shalt  }
0x42: {  	_ =	shalt  }
0x43: {  	_ =	shalt  }
0x44: {  	_ =	shalt  }
0x45: {  	_ =	shalt  }
0x46: {  	_ =	shalt  }
0x47: {  	_ =	shalt  }
0x48: {  	_ =	shalt  }
0x49: {  	_ =	shalt  }
0x4a: {  	_ =	shalt  }
0x4b: {  	_ =	shalt  }
0x4c: {  	_ =	shalt  }
0x4d: {  	_ =	shalt  }
0x4e: {  	_ =	shalt  }
0x4f: {  	_ =	shalt  }
0x50: {  	_ =	shalt  }
0x51: {  	_ =	shalt  }
0x52: {  	_ =	shalt  }
0x53: {  	_ =	shalt  }
0x54: {  	_ =	shalt  }
0x55: {  	_ =	shalt  }
0x56: {  	_ =	shalt  }
0x57: {  	_ =	shalt  }
0x58: {  	_ =	shalt  }
0x59: {  	_ =	shalt  }
0x5a: {  	_ =	shalt  }
0x5b: {  	_ =	shalt  }
0x5c: {  	_ =	shalt  }
0x5d: {  	_ =	shalt  }
0x5e: {  	_ =	shalt  }
0x5f: {  	_ =	shalt  }
0x60: {  	_ =	shalt  }
0x61: {  	_ =	shalt  }
0x62: {  	_ =	shalt  }
0x63: {  	_ =	shalt  }
0x64: {  	_ =	shalt  }
0x65: {  	_ =	shalt  }
0x66: {  	_ =	shalt  }
0x67: {  	_ =	shalt  }
0x68: {  	_ =	shalt  }
0x69: {  	_ =	shalt  }
0x6a: {  	_ =	shalt  }
0x6b: {  	_ =	shalt  }
0x6c: {  	_ =	shalt  }
0x6d: {  	_ =	shalt  }
0x6e: {  	_ =	shalt  }
0x6f: {  	_ =	shalt  }
0x70: {  	_ =	shalt  }
0x71: {  	_ =	shalt  }
0x72: {  	_ =	shalt  }
0x73: {  	_ =	shalt  }
0x74: {  	_ =	shalt  }
0x75: {  	_ =	shalt  }
0x76: {  	_ =	shalt  }
0x77: {  	_ =	shalt  }
0x78: {  	_ =	shalt  }
0x79: {  	_ =	shalt  }
0x7a: {  	_ =	shalt  }
0x7b: {  	_ =	shalt  }
0x7c: {  	_ =	shalt  }
0x7d: {  	_ =	shalt  }
0x7e: {  	_ =	shalt  }
0x7f: {  	_ =	shalt  }
0x80: {  	_ =	shalt  }
0x81: {  	_ =	shalt  }
0x82: {  	_ =	shalt  }
0x83: {  	_ =	shalt  }
0x84: {  	_ =	shalt  }
0x85: {  	_ =	shalt  }
0x86: {  	_ =	shalt  }
0x87: {  	_ =	shalt  }
.Lfunc_end0:
.L_simem_size_0:
called_computation.1_lowered:
.L_overlay_start_0:
0x88: {  	s2 =	sld [smem:$0x3FD9]  }
0x89: {  	s3 =	sld [smem:$0x3FFE];
	_ =	sdelay $0x1  }
0x8a: {  	s1 =	srdreg.scid  }
0x8b: {  	s0 =	sand.u32 $0x1, s1  }
0x8c: {  	s17 =	sshll.u32 s0, $0xA;
	s2 =	sadd.s32 s3, s2  }
0x8d: {  	s2 =	sadd.s32 s2, s17  }
0x8e: {  	[smem:$0x3FC5] =	sst s2  }
0x8f: {  	_ = 	snop  }
0x90: {  	(tm) =	ssettm $0x1  }
0x91: {  	s18 =	sld [smem:$0x3FFB];
	_ =	sdelay $0x3  }
0x92: {  	_ =	strace s18  }
0x93: {  	s2 =	sld [smem:$0x3FFC];
	_ =	sdelay $0x3  }
0x94: {  	_ =	strace s2  }
0x95: {  	s2 =	sld [smem:$0x3FFD];
	_ =	sdelay $0x3  }
0x96: {  	_ =	strace s2  }
0x97: {  	_ =	strace $0x8FFFFFFF  }
0x98: {  	s19 =	sld [smem:$0x3FDB];
	_ =	sdelay $0x1  }
0x99: {  	s20 =	simm.s32 $_scs_section_size  }
0x9a: {  	s4 =	simm.s32 $_size__tile_overlayer_lowered;
	s5 =	simm.s32 $_tile_overlayer_lowered  }
0x9b: {  	s6 =	simm.s32 $0x1BFF;
	s21 =	sshll.u32 s5, $0x1;
	s3 =	sadd.s32 s20, s19  }
0x9c: {  	s22 =	simm.s32 $0x0;
	s4 =	sshll.u32 s4, $0x1;
	s5 =	sadd.s32 s21, s3  }
0x9d: {  	[timem:s22], [sflag:s6] =	dma.local [hbm:s5], s4  }
0x9e: {  	_ =	swait.ge [sflag:s6], s4  }
0x9f: {  	s4 =	ssub.s32 $0x0, s4;
	[sflag:s6] =	ssyncset.done $0x0  }
0xa0: {  	[sflag:s6] =	ssyncadd.s32 s4;
	_ =	sdelay $0x1  }
0xa1: {  	s23 =	simm.s32 $0x1B8B  }
0xa2: {  	_ =	swait.ge [sflag:s23], $0x1  }
0xa3: {  	[sflag:s23] =	ssyncset.done $0x0  }
0xa4: {  	[sflag:s23] =	ssyncadd.s32 $0xFFFFFFFF  }
0xa5: {  	s4 =	sld [smem:$0x0]  }
0xa6: {  	s5 =	sand.u32 $0xFFFFFFFE, s1  }
0xa7: {  	p0 =	sne.s32 s1, s5  }
0xa8: {  	s5 =	sshll.u32 @p0 s5, $0xE  }
0xa9: {  	s5 =	sadd.s32 @p0 $0x11B8D, s5;
	s6 =	sshll.u32 @p0 s4, $0x11  }
0xaa: {  	s5 =	sor.u32 @p0 s6, s5  }
0xab: {  	[sflag:s5] =	ssyncadd.remote.s32 @p0 $0x1;
	_ =	sdelay $0x1  }
0xac: {  	s5 =	simm.s32 @p0 $0x1B8D  }
0xad: {  	_ =	swait.eq @p0 [sflag:s5], $0x1  }
0xae: {  	[sflag:s5] =	ssyncadd.s32 @p0 $0xFFFFFFFF  }
0xaf: {  	s6 =	sshll.u32 @!p0 s1, $0xE  }
0xb0: {  	s6 =	sor.u32 @!p0 $0x4000, s6;
	s5 =	simm.s32 @!p0 $0x1B8D  }
0xb1: {  	s4 =	sshll.u32 @!p0 s4, $0x11;
	s6 =	sadd.s32 @!p0 $0x11B8D, s6;
	_ =	swait.eq @!p0 [sflag:s5], $0x1  }
0xb2: {  	s4 =	sor.u32 @!p0 s4, s6;
	[sflag:s5] =	ssyncadd.s32 @!p0 $0xFFFFFFFF  }
0xb3: {  	s25 =	simm.s32 $0x1B8E;
	s24 =	sld [smem:$0x3FFE];
	[sflag:s4] =	ssyncadd.remote.s32 @!p0 $0x1  }
0xb4: {  	s26 =	simm.s32 $execute0_lowered;
	[smem:$0x3FD2] =	sst s25  }
0xb5: {  	s5 =	sshll.u32 s26, $0x1;
	_ =	strace $0x80000049;
	[dreg:$0x1] =	wrdreg $0xFFFFFFFF  }
0xb6: {  	s28 =	simm.s32 $_size_execute0_lowered;
	s3 =	sadd.s32 s3, s5;
	[dreg:$0x0] =	wrdreg $0x0  }
0xb7: {  	s5 =	sshll.u32 s28, $0x1;
	[dreg:$0x2] =	wrdreg s3  }
0xb8: {  	[dreg:$0x3] =	wrdreg s5  }
0xb9: {  	[dreg:$0x4] =	wrdreg $0xC0  }
0xba: {  	_ =	task [dreg:s22], $0x5FFFF  }
0xbb: {  	[dreg:$0x1] =	wrdreg $0xFFFFFFFF  }
0xbc: {  	[dreg:$0x0] =	wrdreg $0x60  }
0xbd: {  	[dreg:$0x2] =	wrdreg s24  }
0xbe: {  	[dreg:$0x3] =	wrdreg $0xA  }
0xbf: {  	_ =	task.clear_ibuf [dreg:s22], $0x4FFFF;
	_ =	strace $0x90000049  }
0xc0: {  	s29 =	simm.s32 $0xA;
	_ =	strace $0x8000004B  }
0xc1: {  	_ =	swait.ge [sflag:s29], $0x1  }
0xc2: {  	[sflag:s29] =	ssyncadd.s32 $0xFFFFFFFF  }
0xc3: {  	_ =	strace $0x9000004B  }
0xc4: {  	_ =	sfence  }
0xc5: {  	s30 =	sld [smem:$0x0];
	_ =	sdelay $0x2  }
0xc6: {  	s31 =	sshll.u32 s1, $0xD;
	s1 =	sshrl.u32 s1, $0x2  }
0xc7: {  	s4 =	sand.u32 $0x4000, s31;
	s1 =	sadd.s32 s1, s30  }
0xc8: {  	s0 =	sor.u32 s4, s0;
	s1 =	sshll.u32 s1, $0x11  }
0xc9: {  	s0 =	sor.u32 s1, s0  }
0xca: {  	s0 =	sadd.s32 $0x8F2B, s0  }
0xcb: {  	[sflag:s0] =	ssyncadd.remote.s32 $0x1  }
0xcc: {  	_ =	sfence.sel $0xFFFF  }
0xcd: {  	[dreg:$0x0] =	wrdreg $0xFFFFFFFF;
	(pc) =	sbr.abs _section_cstart, $3  }
0xce: {  	[dreg:$0x1] =	wrdreg $0xFFFFFFFF  }
0xcf: {  	_ =	task.clear_ibuf [dreg:s22], $0x2FFFF;
	_ =	strace $0x9FFFFFFF  }
0xd0: {  	(tm) =	ssettm $0x7FFFFFFF  }
0xd1: {  	_ =	shalt  }
tec
execute0_lowered:
.L_overlay_start_1:
0x0: {  	(tag) =	ssettag $0x1  }
0x1: {  	s0 =	srdreg.scid  }
0x2: {  	s1 =	stileid.u32;
	s7 =	rddreg [dreg:$0x0];
	s3 =	simm.s32 $0x0  }
0x3: {  	s9 =	simm.s32 $0x60;
	s11 =	simm.s32 $0x5;
	s12 =	simm.s32 $0x3000  }
0x4: {  	s13 =	simm.s32 $0x4800;
	s14 =	simm.s32 $0x6000;
	s15 =	simm.s32 $0x1  }
0x5: {  	s16 =	simm.s32 $0x80;
	s17 =	simm.s32 $0x80000;
	s18 =	simm.s32 $0x7800  }
0x6: {  	s19 =	simm.s32 $0x2;
	s20 =	simm.s32 $0x4;
	s0 =	sand.u32 $0x1, s0  }
0x7: {  	s21 =	simm.s32 $0x9000;
	s1 =	sshll.u32 s1, $0x8;
	s2 =	sshll.u32 s0, $0x7  }
0x8: {  	s22 =	simm.s32 $0x3;
	s23 =	simm.s32 $0x0;
	s2 =	sor.u32 s2, s1  }
0x9: {  	[smem:$0x7FF] =	sst s3;
	s0 =	ssub.s32 $0x2, s0;
	s1 =	smul.u32 $0x19, s2  }
0xa: {  	s4 =	sadd.s32 $0x1A000, s7;
	s5 =	sadd.s32 $0x41D600, s7;
	s6 =	sshrl.u32 s0, $0x1  }
0xb: {  	_ =	strace $0x8000004A;
	s0 =	ssub.s32 s0, s6;
	s1 =	sadd.s32 s1, s7  }
0xc: {  	s8 =	smax.u32 s0, $0x1;
	s7 =	sadd.s32 $0xB40, s7;
	s6 =	sadd.s32 $0x100D, s1  }
.LBB2_1:
0xd: {  	s0 =	simm.s32 $0xC8  }
0xe: {  	[tilespmem:s3], [sflag:$0x5] =	stream.strided.gather [hbm4b:s6+s9], $0x3000, s0, s9, $0x38;
	[tilespmem:$0xA800] =	vst v63  }
0xf: {  	_ =	swait.ge [sflag:s11], $0x3000  }
0x10: {  	[sflag:s11] =	ssyncset.done $0x0  }
0x11: {  	[sflag:s11] =	ssyncadd.s32 $0xFFFFD000  }
0x12: {  	[tilespmem:s12], [sflag:$0x5] =	stream.linear.gather [hbm4b:s7+s3], $0x1800, $0x38;
	[tilespmem:$0xA800] =	vst v63  }
0x13: {  	_ =	swait.ge [sflag:s11], $0x1800  }
0x14: {  	[sflag:s11] =	ssyncset.done $0x0  }
0x15: {  	s24 =	simm.s32 $0x0;
	[sflag:s11] =	ssyncadd.s32 $0xFFFFE800  }
0x16: {  	[tilespmem:s13], [sflag:$0x1] =	stream.indirect.gather [hbm4b:s4+s9], $0x40, s3, s9, $0xb8;
	[tilespmem:$0xA800] =	vst v63  }
.LBB2_2:
0x17: {  	s25 =	sshllo.u32 s24, $0x1  }
0x18: {  	s0 =	smul.u32 $0x180, s25;
	_ =	sdelay $0x1  }
0x19: {  	s0 =	sshra.s32 s0, $0x2  }
0x1a: {  	[tilespmem:s14], [sflag:$0x2] =	stream.indirect.gather [hbm4b:s4+s9], $0x40, s0, s9, $0xb8;
	[tilespmem:$0xA800] =	vst v63  }
0x1b: {  	_ =	swait.ge [sflag:s15], $0x1800  }
0x1c: {  	p0 =	seq.s32 s24, $0x0;
	[sflag:s15] =	ssyncset.done $0x0  }
0x1d: {  	s0 =	simm.s32 @!p0 $0x3;
	[sflag:s15] =	ssyncadd.s32 $0xFFFFE800  }
0x1e: {  	_ =	swait.ge @!p0 [sflag:s0], $0x1800  }
0x1f: {  	[sflag:s0] =	ssyncset.done @!p0 $0x0  }
0x20: {  	s26 =	simm.s32 $0x4900;
	[sflag:s0] =	ssyncadd.s32 @!p0 $0xFFFFE800  }
0x21: {  	s28 =	simm.s32 $0x3100;
	v0 =	vld [tilespmem:s26+$0x80]  }
0x22: {  	v1 =	vld [tilespmem:s28+$0x80];
	_ =	sdelay $0x2  }
0x23: {  	v2 =	vld [tilespmem:s26+$0xFFFFFF80]  }
0x24: {  	v3 =	vld [tilespmem:s28+$0xFFFFFF80]  }
0x25: {  	v4 =	vld [tilespmem:s28+$0xFFFFFF00];
	v0 =	vadd.f32 v1, v0  }
0x26: {  	s29 =	simm.s32 $0x7900;
	v1 =	vld [tilespmem:s26+$0xFFFFFF00]  }
0x27: {  	[tilespmem:s29+$0x80] =	vst v0  }
0x28: {  	v0 =	vld [tilespmem:s26+$0x90]  }
0x29: {  	v2 =	vadd.f32 v3, v2;
	v3 =	vld [tilespmem:s28+$0x90]  }
0x2a: {  	v5 =	vld [tilespmem:s26+$0x0]  }
0x2b: {  	v6 =	vld [tilespmem:s28+$0x0];
	[tilespmem:s29+$0xFFFFFF80] =	vst v2;
	v1 =	vadd.f32 v4, v1  }
0x2c: {  	v2 =	vld [tilespmem:s26+$0xFFFFFF90]  }
0x2d: {  	v4 =	vld [tilespmem:s28+$0xFFFFFF90];
	[tilespmem:s29+$0xFFFFFF00] =	vst v1  }
0x2e: {  	v1 =	vld [tilespmem:s26+$0xFFFFFF10];
	v0 =	vadd.f32 v3, v0  }
0x2f: {  	v3 =	vld [tilespmem:s28+$0xFFFFFF10]  }
0x30: {  	v5 =	vadd.f32 v6, v5;
	[tilespmem:s29+$0x90] =	vst v0  }
0x31: {  	v0 =	vld [tilespmem:s26+$0xA0]  }
0x32: {  	[tilespmem:s29+$0x0] =	vst v5;
	v2 =	vadd.f32 v4, v2;
	v4 =	vld [tilespmem:s28+$0xA0]  }
0x33: {  	v5 =	vld [tilespmem:s26+$0x10]  }
0x34: {  	v6 =	vld [tilespmem:s28+$0x10];
	[tilespmem:s29+$0xFFFFFF90] =	vst v2;
	v1 =	vadd.f32 v3, v1  }
0x35: {  	v2 =	vld [tilespmem:s26+$0xFFFFFFA0]  }
0x36: {  	v3 =	vld [tilespmem:s28+$0xFFFFFFA0];
	[tilespmem:s29+$0xFFFFFF10] =	vst v1  }
0x37: {  	v1 =	vld [tilespmem:s26+$0xFFFFFF20];
	v0 =	vadd.f32 v4, v0  }
0x38: {  	v4 =	vld [tilespmem:s28+$0xFFFFFF20]  }
0x39: {  	v5 =	vadd.f32 v6, v5;
	[tilespmem:s29+$0xA0] =	vst v0  }
0x3a: {  	v0 =	vld [tilespmem:s26+$0xB0]  }
0x3b: {  	[tilespmem:s29+$0x10] =	vst v5;
	v2 =	vadd.f32 v3, v2;
	v3 =	vld [tilespmem:s28+$0xB0]  }
0x3c: {  	v5 =	vld [tilespmem:s26+$0x20]  }
0x3d: {  	[tilespmem:s29+$0xFFFFFFA0] =	vst v2;
	v2 =	vld [tilespmem:s28+$0x20];
	v1 =	vadd.f32 v4, v1  }
0x3e: {  	v4 =	vld [tilespmem:s26+$0xFFFFFFB0]  }
0x3f: {  	v6 =	vld [tilespmem:s28+$0xFFFFFFB0];
	[tilespmem:s29+$0xFFFFFF20] =	vst v1  }
0x40: {  	v1 =	vld [tilespmem:s26+$0xFFFFFF30];
	v0 =	vadd.f32 v3, v0  }
0x41: {  	v3 =	vld [tilespmem:s28+$0xFFFFFF30]  }
0x42: {  	v2 =	vadd.f32 v2, v5;
	[tilespmem:s29+$0xB0] =	vst v0  }
0x43: {  	v0 =	vld [tilespmem:s26+$0xC0]  }
0x44: {  	v4 =	vadd.f32 v6, v4;
	[tilespmem:s29+$0x20] =	vst v2;
	v2 =	vld [tilespmem:s28+$0xC0]  }
0x45: {  	v5 =	vld [tilespmem:s26+$0x30]  }
0x46: {  	[tilespmem:s29+$0xFFFFFFB0] =	vst v4;
	v1 =	vadd.f32 v3, v1;
	v3 =	vld [tilespmem:s28+$0x30]  }
0x47: {  	v4 =	vld [tilespmem:s26+$0xFFFFFFC0]  }
0x48: {  	[tilespmem:s29+$0xFFFFFF30] =	vst v1;
	v1 =	vld [tilespmem:s28+$0xFFFFFFC0]  }
0x49: {  	v6 =	vld [tilespmem:s26+$0xFFFFFF40];
	v0 =	vadd.f32 v2, v0  }
0x4a: {  	v2 =	vld [tilespmem:s28+$0xFFFFFF40]  }
0x4b: {  	v3 =	vadd.f32 v3, v5;
	[tilespmem:s29+$0xC0] =	vst v0  }
0x4c: {  	v0 =	vld [tilespmem:s26+$0xD0]  }
0x4d: {  	v1 =	vadd.f32 v1, v4;
	[tilespmem:s29+$0x30] =	vst v3;
	v3 =	vld [tilespmem:s28+$0xD0]  }
0x4e: {  	v4 =	vld [tilespmem:s26+$0x40]  }
0x4f: {  	v2 =	vadd.f32 v2, v6;
	[tilespmem:s29+$0xFFFFFFC0] =	vst v1;
	v1 =	vld [tilespmem:s28+$0x40]  }
0x50: {  	v5 =	vld [tilespmem:s26+$0xFFFFFFD0]  }
0x51: {  	[tilespmem:s29+$0xFFFFFF40] =	vst v2;
	v2 =	vld [tilespmem:s28+$0xFFFFFFD0]  }
0x52: {  	v6 =	vld [tilespmem:s26+$0xFFFFFF50];
	v0 =	vadd.f32 v3, v0  }
0x53: {  	v3 =	vld [tilespmem:s28+$0xFFFFFF50]  }
0x54: {  	v1 =	vadd.f32 v1, v4;
	[tilespmem:s29+$0xD0] =	vst v0  }
0x55: {  	v7 =	vld [tilespmem:s26+$0xE0]  }
0x56: {  	v0 =	vadd.f32 v2, v5;
	v5 =	vld [tilespmem:s28+$0xE0];
	[tilespmem:s29+$0x40] =	vst v1  }
0x57: {  	v1 =	vld [tilespmem:s26+$0x50]  }
0x58: {  	v2 =	vadd.f32 v3, v6;
	[tilespmem:s29+$0xFFFFFFD0] =	vst v0;
	v4 =	vld [tilespmem:s28+$0x50]  }
0x59: {  	v0 =	vld [tilespmem:s26+$0xFFFFFFE0]  }
0x5a: {  	v3 =	vld [tilespmem:s28+$0xFFFFFFE0];
	[tilespmem:s29+$0xFFFFFF50] =	vst v2  }
0x5b: {  	s30 =	sshll.u32 s24, $0x1;
	s1 =	simm.s32 $0x0;
	v2 =	vld [tilespmem:s26+$0xFFFFFF60];
	v6 =	vadd.f32 v5, v7  }
0x5c: {  	s10 =	simm.s32 $0x3100;
	s31 =	simm.s32 $0x7900;
	s0 =	simm.s32 $0x4B00;
	v5 =	vld [tilespmem:s28+$0xFFFFFF60]  }
.LBB2_3:
0x5d: {  	v7 =	vld [tilespmem:s0+$0x80];
	v1 =	vadd.f32 v4, v1;
	[tilespmem:s29+$0xE0] =	vst v6  }
0x5e: {  	v4 =	vld [tilespmem:s26+$0xF0]  }
0x5f: {  	s10 =	sadd.s32 $0x200, s10;
	v0 =	vadd.f32 v3, v0;
	[tilespmem:s29+$0x50] =	vst v1;
	v1 =	vld [tilespmem:s28+$0xF0]  }
0x60: {  	v3 =	vld [tilespmem:s10+$0x80]  }
0x61: {  	v6 =	vld [tilespmem:s10+$0xFFFFFF00];
	v2 =	vadd.f32 v5, v2;
	[tilespmem:s29+$0xFFFFFFE0] =	vst v0  }
0x62: {  	v0 =	vld [tilespmem:s0+$0xFFFFFF80]  }
0x63: {  	v5 =	vld [tilespmem:s10+$0xFFFFFF80];
	[tilespmem:s29+$0xFFFFFF60] =	vst v2  }
0x64: {  	v2 =	vld [tilespmem:s0+$0x0];
	v1 =	vadd.f32 v1, v4  }
0x65: {  	v4 =	vld [tilespmem:s10+$0x0];
	v3 =	vadd.f32 v3, v7  }
0x66: {  	s29 =	sadd.s32 $0x200, s29;
	v7 =	vld [tilespmem:s0+$0xFFFFFF00];
	[tilespmem:s31+$0xF0] =	vst v1  }
0x67: {  	s1 =	sadd.s32 $0x4, s1;
	[tilespmem:s29+$0x80] =	vst v3;
	v1 =	vld [tilespmem:s26+$0x60]  }
0x68: {  	p1 =	slt.u32 s1, $0x2C;
	v0 =	vadd.f32 v5, v0;
	v3 =	vld [tilespmem:s0+$0x90]  }
0x69: {  	v5 =	vld [tilespmem:s10+$0x90]  }
0x6a: {  	[tilespmem:s29+$0xFFFFFF80] =	vst v0;
	v0 =	vadd.f32 v4, v2;
	v2 =	vld [tilespmem:s28+$0x60]  }
0x6b: {  	v4 =	vadd.f32 v6, v7;
	v6 =	vld [tilespmem:s0+$0xFFFFFF90]  }
0x6c: {  	v7 =	vld [tilespmem:s10+$0xFFFFFF90];
	[tilespmem:s29+$0x0] =	vst v0  }
0x6d: {  	[tilespmem:s29+$0xFFFFFF00] =	vst v4;
	v0 =	vld [tilespmem:s0+$0x10]  }
0x6e: {  	v4 =	vld [tilespmem:s0+$0xFFFFFF10];
	v3 =	vadd.f32 v5, v3  }
0x6f: {  	v5 =	vld [tilespmem:s10+$0xFFFFFF10];
	v1 =	vadd.f32 v2, v1  }
0x70: {  	v2 =	vld [tilespmem:s10+$0x10];
	[tilespmem:s29+$0x90] =	vst v3  }
0x71: {  	v3 =	vadd.f32 v7, v6;
	v6 =	vld [tilespmem:s0+$0xA0];
	[tilespmem:s31+$0x60] =	vst v1  }
0x72: {  	v1 =	vld [tilespmem:s10+$0xA0]  }
0x73: {  	[tilespmem:s29+$0xFFFFFF90] =	vst v3;
	v3 =	vld [tilespmem:s26+$0xFFFFFF70]  }
0x74: {  	v4 =	vadd.f32 v5, v4;
	v5 =	vld [tilespmem:s0+$0xFFFFFFA0]  }
0x75: {  	v7 =	vld [tilespmem:s10+$0xFFFFFFA0];
	v0 =	vadd.f32 v2, v0  }
0x76: {  	[tilespmem:s29+$0xFFFFFF10] =	vst v4;
	v2 =	vld [tilespmem:s28+$0xFFFFFF70]  }
0x77: {  	v4 =	vld [tilespmem:s0+$0xFFFFFF20];
	[tilespmem:s29+$0x10] =	vst v0;
	v0 =	vadd.f32 v1, v6  }
0x78: {  	v1 =	vld [tilespmem:s10+$0xFFFFFF20]  }
0x79: {  	v6 =	vld [tilespmem:s0+$0x20];
	[tilespmem:s29+$0xA0] =	vst v0  }
0x7a: {  	v0 =	vadd.f32 v7, v5;
	v5 =	vld [tilespmem:s0+$0xB0]  }
0x7b: {  	v7 =	vld [tilespmem:s10+$0xB0];
	v2 =	vadd.f32 v2, v3  }
0x7c: {  	[tilespmem:s29+$0xFFFFFFA0] =	vst v0;
	v0 =	vld [tilespmem:s10+$0x20]  }
0x7d: {  	v1 =	vadd.f32 v1, v4;
	v3 =	vld [tilespmem:s0+$0xFFFFFFB0];
	[tilespmem:s31+$0xFFFFFF70] =	vst v2  }
0x7e: {  	v2 =	vld [tilespmem:s10+$0xFFFFFFB0]  }
0x7f: {  	[tilespmem:s29+$0xFFFFFF20] =	vst v1;
	v1 =	vld [tilespmem:s26+$0xFFFFFFF0]  }
0x80: {  	v4 =	vld [tilespmem:s0+$0xFFFFFF30];
	v5 =	vadd.f32 v7, v5  }
0x81: {  	v7 =	vld [tilespmem:s10+$0xFFFFFF30];
	v0 =	vadd.f32 v0, v6  }
0x82: {  	[tilespmem:s29+$0xB0] =	vst v5;
	v5 =	vld [tilespmem:s28+$0xFFFFFFF0]  }
0x83: {  	v2 =	vadd.f32 v2, v3;
	[tilespmem:s29+$0x20] =	vst v0;
	v0 =	vld [tilespmem:s0+$0xC0]  }
0x84: {  	v3 =	vld [tilespmem:s10+$0xC0]  }
0x85: {  	[tilespmem:s29+$0xFFFFFFB0] =	vst v2;
	v2 =	vld [tilespmem:s0+$0x30]  }
0x86: {  	v4 =	vadd.f32 v7, v4;
	v6 =	vld [tilespmem:s10+$0x30]  }
0x87: {  	v7 =	vld [tilespmem:s0+$0xFFFFFFC0];
	v1 =	vadd.f32 v5, v1  }
0x88: {  	[tilespmem:s29+$0xFFFFFF30] =	vst v4;
	v4 =	vld [tilespmem:s10+$0xFFFFFFC0]  }
0x89: {  	v5 =	vld [tilespmem:s0+$0xFFFFFF40];
	v0 =	vadd.f32 v3, v0;
	[tilespmem:s31+$0xFFFFFFF0] =	vst v1  }
0x8a: {  	v1 =	vld [tilespmem:s10+$0xFFFFFF40]  }
0x8b: {  	v2 =	vadd.f32 v6, v2;
	[tilespmem:s29+$0xC0] =	vst v0;
	v3 =	vld [tilespmem:s26+$0x70];
	s26 =	smov.u32 s0  }
0x8c: {  	v0 =	vld [tilespmem:s0+$0xD0]  }
0x8d: {  	v4 =	vadd.f32 v4, v7;
	[tilespmem:s29+$0x30] =	vst v2;
	v2 =	vld [tilespmem:s10+$0xD0]  }
0x8e: {  	v6 =	vld [tilespmem:s0+$0x40]  }
0x8f: {  	v1 =	vadd.f32 v1, v5;
	[tilespmem:s29+$0xFFFFFFC0] =	vst v4;
	v4 =	vld [tilespmem:s10+$0x40]  }
0x90: {  	v5 =	vld [tilespmem:s0+$0xFFFFFFD0]  }
0x91: {  	[tilespmem:s29+$0xFFFFFF40] =	vst v1;
	v1 =	vld [tilespmem:s10+$0xFFFFFFD0]  }
0x92: {  	v7 =	vld [tilespmem:s0+$0xFFFFFF50];
	v0 =	vadd.f32 v2, v0  }
0x93: {  	v2 =	vld [tilespmem:s10+$0xFFFFFF50]  }
0x94: {  	v4 =	vadd.f32 v4, v6;
	[tilespmem:s29+$0xD0] =	vst v0;
	v6 =	vld [tilespmem:s28+$0x70];
	s28 =	smov.u32 s10  }
0x95: {  	v8 =	vld [tilespmem:s0+$0xE0]  }
0x96: {  	v0 =	vadd.f32 v1, v5;
	[tilespmem:s29+$0x40] =	vst v4;
	v5 =	vld [tilespmem:s10+$0xE0]  }
0x97: {  	v1 =	vld [tilespmem:s0+$0x50]  }
.Ltmp0:
0x98: {  	v2 =	vadd.f32 v2, v7;
	[tilespmem:s29+$0xFFFFFFD0] =	vst v0;
	v4 =	vld [tilespmem:s10+$0x50];
	(pc) =	sbr.rel @p1 .LBB2_3-.Ltmp0, $4  }
0x99: {  	v0 =	vld [tilespmem:s0+$0xFFFFFFE0];
	v7 =	vadd.f32 v6, v3  }
0x9a: {  	[tilespmem:s29+$0xFFFFFF50] =	vst v2;
	v3 =	vld [tilespmem:s10+$0xFFFFFFE0]  }
0x9b: {  	v2 =	vld [tilespmem:s0+$0xFFFFFF60];
	v6 =	vadd.f32 v5, v8;
	[tilespmem:s31+$0x70] =	vst v7;
	s31 =	smov.u32 s29  }
0x9c: {  	s0 =	sadd.s32 $0x200, s0;
	v5 =	vld [tilespmem:s10+$0xFFFFFF60]  }
0x9d: {  	v1 =	vadd.f32 v4, v1;
	_ =	sdelay $0x1  }
0x9e: {  	[tilespmem:s29+$0x50] =	vst v1  }
0x9f: {  	v1 =	vld [tilespmem:s26+$0x60]  }
0xa0: {  	v55 =	vld [tilespmem:s28+$0x60]  }
0xa1: {  	[tilespmem:s29+$0xE0] =	vst v6;
	v0 =	vadd.f32 v3, v0  }
0xa2: {  	v56 =	vld [tilespmem:s26+$0xF0]  }
0xa3: {  	v57 =	vld [tilespmem:s28+$0xF0];
	v2 =	vadd.f32 v5, v2;
	[tilespmem:s29+$0xFFFFFFE0] =	vst v0  }
0xa4: {  	v60 =	vld [tilespmem:s26+$0xFFFFFFF0]  }
0xa5: {  	v61 =	vld [tilespmem:s28+$0xFFFFFFF0];
	[tilespmem:s29+$0xFFFFFF60] =	vst v2;
	v58 =	vadd.f32 v55, v1  }
0xa6: {  	v2 =	vld [tilespmem:s26+$0xFFFFFF70]  }
0xa7: {  	v59 =	vld [tilespmem:s28+$0xFFFFFF70];
	[tilespmem:s31+$0x60] =	vst v58  }
0xa8: {  	v62 =	vld [tilespmem:s26+$0x70]  }
0xa9: {  	v7 =	vld [tilespmem:s28+$0x70];
	_ =	sdelay $0x1  }
0xaa: {  	v3 =	vadd.f32 v57, v56  }
0xab: {  	p1 =	sne.s32 s24, $0x3F;
	v0 =	vadd.f32 v61, v60  }
.Ltmp1:
0xac: {  	[tilespmem:s31+$0xF0] =	vst v3;
	v1 =	vadd.f32 v59, v2;
	(pc) =	sbr.rel @p1 .LBB2_6-.Ltmp1, $4  }
0xad: {  	s0 =	sadd.s32 s2, s30;
	[tilespmem:s31+$0xFFFFFFF0] =	vst v0;
	v63 =	vadd.f32 v7, v62  }
0xae: {  	s0 =	sshll.u32 s0, $0x4;
	[tilespmem:s31+$0xFFFFFF70] =	vst v1  }
0xaf: {  	s0 =	sadd.s32 s5, s0;
	[tilespmem:s31+$0x70] =	vst v63  }
0xb0: {  	[hbm4b:s0+s16] =	stream.strided.scatter [tilespmem:s18], [sflag:$0x3], $0x1800, s17, s16, $0x38;
	[tilespmem:$0xA800] =	vst v63  }
.Ltmp2:
0xb1: {  	(pc) =	sbr.rel .LBB2_7-.Ltmp2, $4  }
0xb2: {  	_ = 	snop  }
0xb3: {  	_ =	swait.ge [sflag:s19], $0x1800  }
0xb4: {  	[sflag:s19] =	ssyncset.done $0x0  }
0xb5: {  	[sflag:s19] =	ssyncadd.s32 $0xFFFFE800  }
.LBB2_6:
0xb6: {  	s0 =	smul.u32 $0x300, s24;
	_ =	sdelay $0x1  }
0xb7: {  	s0 =	sshra.s32 s0, $0x2  }
.Ltmp3:
0xb8: {  	s0 =	sadd.s32 $0xC0, s0;
	(pc) =	sbr.rel @p0 .LBB2_8-.Ltmp3, $4  }
0xb9: {  	[tilespmem:s13], [sflag:$0x1] =	stream.indirect.gather [hbm4b:s4+s9], $0x40, s0, s9, $0xb8;
	[tilespmem:$0xA800] =	vst v63  }
0xba: {  	_ =	swait.ge [sflag:s19], $0x1800  }
0xbb: {  	[sflag:s19] =	ssyncset.done $0x0  }
0xbc: {  	[sflag:s19] =	ssyncadd.s32 $0xFFFFE800  }
.LBB2_7:
0xbd: {  	_ =	swait.ge [sflag:s20], $0x1800  }
0xbe: {  	[sflag:s20] =	ssyncset.done $0x0  }
0xbf: {  	[sflag:s20] =	ssyncadd.s32 $0xFFFFE800  }
.LBB2_8:
0xc0: {  	s26 =	simm.s32 $0x6100  }
0xc1: {  	s28 =	simm.s32 $0x3100;
	v0 =	vld [tilespmem:s26+$0x80]  }
0xc2: {  	v1 =	vld [tilespmem:s28+$0x80];
	_ =	sdelay $0x2  }
0xc3: {  	v2 =	vld [tilespmem:s26+$0xFFFFFF80]  }
0xc4: {  	v3 =	vld [tilespmem:s28+$0xFFFFFF80]  }
0xc5: {  	v4 =	vld [tilespmem:s28+$0xFFFFFF00];
	v0 =	vadd.f32 v1, v0  }
0xc6: {  	s29 =	simm.s32 $0x9100;
	v1 =	vld [tilespmem:s26+$0xFFFFFF00]  }
0xc7: {  	[tilespmem:s29+$0x80] =	vst v0  }
0xc8: {  	v0 =	vld [tilespmem:s26+$0x90]  }
0xc9: {  	v2 =	vadd.f32 v3, v2;
	v3 =	vld [tilespmem:s28+$0x90]  }
0xca: {  	v5 =	vld [tilespmem:s26+$0x0]  }
0xcb: {  	v6 =	vld [tilespmem:s28+$0x0];
	[tilespmem:s29+$0xFFFFFF80] =	vst v2;
	v1 =	vadd.f32 v4, v1  }
0xcc: {  	v2 =	vld [tilespmem:s26+$0xFFFFFF90]  }
0xcd: {  	v4 =	vld [tilespmem:s28+$0xFFFFFF90];
	[tilespmem:s29+$0xFFFFFF00] =	vst v1  }
0xce: {  	v1 =	vld [tilespmem:s26+$0xFFFFFF10];
	v0 =	vadd.f32 v3, v0  }
0xcf: {  	v3 =	vld [tilespmem:s28+$0xFFFFFF10]  }
0xd0: {  	v5 =	vadd.f32 v6, v5;
	[tilespmem:s29+$0x90] =	vst v0  }
0xd1: {  	v0 =	vld [tilespmem:s26+$0xA0]  }
0xd2: {  	[tilespmem:s29+$0x0] =	vst v5;
	v2 =	vadd.f32 v4, v2;
	v4 =	vld [tilespmem:s28+$0xA0]  }
0xd3: {  	v5 =	vld [tilespmem:s26+$0x10]  }
0xd4: {  	v6 =	vld [tilespmem:s28+$0x10];
	[tilespmem:s29+$0xFFFFFF90] =	vst v2;
	v1 =	vadd.f32 v3, v1  }
0xd5: {  	v2 =	vld [tilespmem:s26+$0xFFFFFFA0]  }
0xd6: {  	v3 =	vld [tilespmem:s28+$0xFFFFFFA0];
	[tilespmem:s29+$0xFFFFFF10] =	vst v1  }
0xd7: {  	v1 =	vld [tilespmem:s26+$0xFFFFFF20];
	v0 =	vadd.f32 v4, v0  }
0xd8: {  	v4 =	vld [tilespmem:s28+$0xFFFFFF20]  }
0xd9: {  	v5 =	vadd.f32 v6, v5;
	[tilespmem:s29+$0xA0] =	vst v0  }
0xda: {  	v0 =	vld [tilespmem:s26+$0xB0]  }
0xdb: {  	[tilespmem:s29+$0x10] =	vst v5;
	v2 =	vadd.f32 v3, v2;
	v3 =	vld [tilespmem:s28+$0xB0]  }
0xdc: {  	v5 =	vld [tilespmem:s26+$0x20]  }
0xdd: {  	[tilespmem:s29+$0xFFFFFFA0] =	vst v2;
	v2 =	vld [tilespmem:s28+$0x20];
	v1 =	vadd.f32 v4, v1  }
0xde: {  	v4 =	vld [tilespmem:s26+$0xFFFFFFB0]  }
0xdf: {  	v6 =	vld [tilespmem:s28+$0xFFFFFFB0];
	[tilespmem:s29+$0xFFFFFF20] =	vst v1  }
0xe0: {  	v1 =	vld [tilespmem:s26+$0xFFFFFF30];
	v0 =	vadd.f32 v3, v0  }
0xe1: {  	v3 =	vld [tilespmem:s28+$0xFFFFFF30]  }
0xe2: {  	v2 =	vadd.f32 v2, v5;
	[tilespmem:s29+$0xB0] =	vst v0  }
0xe3: {  	v0 =	vld [tilespmem:s26+$0xC0]  }
0xe4: {  	v4 =	vadd.f32 v6, v4;
	[tilespmem:s29+$0x20] =	vst v2;
	v2 =	vld [tilespmem:s28+$0xC0]  }
0xe5: {  	v5 =	vld [tilespmem:s26+$0x30]  }
0xe6: {  	[tilespmem:s29+$0xFFFFFFB0] =	vst v4;
	v1 =	vadd.f32 v3, v1;
	v3 =	vld [tilespmem:s28+$0x30]  }
0xe7: {  	v4 =	vld [tilespmem:s26+$0xFFFFFFC0]  }
0xe8: {  	[tilespmem:s29+$0xFFFFFF30] =	vst v1;
	v1 =	vld [tilespmem:s28+$0xFFFFFFC0]  }
0xe9: {  	v6 =	vld [tilespmem:s26+$0xFFFFFF40];
	v0 =	vadd.f32 v2, v0  }
0xea: {  	v2 =	vld [tilespmem:s28+$0xFFFFFF40]  }
0xeb: {  	v3 =	vadd.f32 v3, v5;
	[tilespmem:s29+$0xC0] =	vst v0  }
0xec: {  	v0 =	vld [tilespmem:s26+$0xD0]  }
0xed: {  	v1 =	vadd.f32 v1, v4;
	[tilespmem:s29+$0x30] =	vst v3;
	v3 =	vld [tilespmem:s28+$0xD0]  }
0xee: {  	v4 =	vld [tilespmem:s26+$0x40]  }
0xef: {  	v2 =	vadd.f32 v2, v6;
	[tilespmem:s29+$0xFFFFFFC0] =	vst v1;
	v1 =	vld [tilespmem:s28+$0x40]  }
0xf0: {  	v5 =	vld [tilespmem:s26+$0xFFFFFFD0]  }
0xf1: {  	[tilespmem:s29+$0xFFFFFF40] =	vst v2;
	v2 =	vld [tilespmem:s28+$0xFFFFFFD0]  }
0xf2: {  	v6 =	vld [tilespmem:s26+$0xFFFFFF50];
	v0 =	vadd.f32 v3, v0  }
0xf3: {  	v3 =	vld [tilespmem:s28+$0xFFFFFF50]  }
0xf4: {  	v1 =	vadd.f32 v1, v4;
	[tilespmem:s29+$0xD0] =	vst v0  }
0xf5: {  	v7 =	vld [tilespmem:s26+$0xE0]  }
0xf6: {  	v0 =	vadd.f32 v2, v5;
	v5 =	vld [tilespmem:s28+$0xE0];
	[tilespmem:s29+$0x40] =	vst v1  }
0xf7: {  	v1 =	vld [tilespmem:s26+$0x50]  }
0xf8: {  	v2 =	vadd.f32 v3, v6;
	[tilespmem:s29+$0xFFFFFFD0] =	vst v0;
	v4 =	vld [tilespmem:s28+$0x50]  }
0xf9: {  	v0 =	vld [tilespmem:s26+$0xFFFFFFE0]  }
0xfa: {  	v3 =	vld [tilespmem:s28+$0xFFFFFFE0];
	[tilespmem:s29+$0xFFFFFF50] =	vst v2  }
0xfb: {  	s1 =	simm.s32 $0x0;
	v2 =	vld [tilespmem:s26+$0xFFFFFF60];
	v6 =	vadd.f32 v5, v7  }
0xfc: {  	s0 =	simm.s32 $0x6300;
	s10 =	simm.s32 $0x3100;
	s30 =	simm.s32 $0x9100;
	v5 =	vld [tilespmem:s28+$0xFFFFFF60]  }
.LBB2_9:
0xfd: {  	v7 =	vld [tilespmem:s0+$0x80];
	v1 =	vadd.f32 v4, v1;
	[tilespmem:s29+$0xE0] =	vst v6  }
0xfe: {  	v4 =	vld [tilespmem:s26+$0xF0]  }
0xff: {  	s10 =	sadd.s32 $0x200, s10;
	v0 =	vadd.f32 v3, v0;
	[tilespmem:s29+$0x50] =	vst v1;
	v1 =	vld [tilespmem:s28+$0xF0]  }
0x100: {  	v3 =	vld [tilespmem:s10+$0x80]  }
0x101: {  	v6 =	vld [tilespmem:s10+$0xFFFFFF00];
	v2 =	vadd.f32 v5, v2;
	[tilespmem:s29+$0xFFFFFFE0] =	vst v0  }
0x102: {  	v0 =	vld [tilespmem:s0+$0xFFFFFF80]  }
0x103: {  	v5 =	vld [tilespmem:s10+$0xFFFFFF80];
	[tilespmem:s29+$0xFFFFFF60] =	vst v2  }
0x104: {  	v2 =	vld [tilespmem:s0+$0x0];
	v1 =	vadd.f32 v1, v4  }
0x105: {  	v4 =	vld [tilespmem:s10+$0x0];
	v3 =	vadd.f32 v3, v7  }
0x106: {  	s29 =	sadd.s32 $0x200, s29;
	v7 =	vld [tilespmem:s0+$0xFFFFFF00];
	[tilespmem:s30+$0xF0] =	vst v1  }
0x107: {  	s1 =	sadd.s32 $0x4, s1;
	[tilespmem:s29+$0x80] =	vst v3;
	v1 =	vld [tilespmem:s26+$0x60]  }
0x108: {  	p0 =	slt.u32 s1, $0x2C;
	v0 =	vadd.f32 v5, v0;
	v3 =	vld [tilespmem:s0+$0x90]  }
0x109: {  	v5 =	vld [tilespmem:s10+$0x90]  }
0x10a: {  	[tilespmem:s29+$0xFFFFFF80] =	vst v0;
	v0 =	vadd.f32 v4, v2;
	v2 =	vld [tilespmem:s28+$0x60]  }
0x10b: {  	v4 =	vadd.f32 v6, v7;
	v6 =	vld [tilespmem:s0+$0xFFFFFF90]  }
0x10c: {  	v7 =	vld [tilespmem:s10+$0xFFFFFF90];
	[tilespmem:s29+$0x0] =	vst v0  }
0x10d: {  	[tilespmem:s29+$0xFFFFFF00] =	vst v4;
	v0 =	vld [tilespmem:s0+$0x10]  }
0x10e: {  	v4 =	vld [tilespmem:s0+$0xFFFFFF10];
	v3 =	vadd.f32 v5, v3  }
0x10f: {  	v5 =	vld [tilespmem:s10+$0xFFFFFF10];
	v1 =	vadd.f32 v2, v1  }
0x110: {  	v2 =	vld [tilespmem:s10+$0x10];
	[tilespmem:s29+$0x90] =	vst v3  }
0x111: {  	v3 =	vadd.f32 v7, v6;
	v6 =	vld [tilespmem:s0+$0xA0];
	[tilespmem:s30+$0x60] =	vst v1  }
0x112: {  	v1 =	vld [tilespmem:s10+$0xA0]  }
0x113: {  	[tilespmem:s29+$0xFFFFFF90] =	vst v3;
	v3 =	vld [tilespmem:s26+$0xFFFFFF70]  }
0x114: {  	v4 =	vadd.f32 v5, v4;
	v5 =	vld [tilespmem:s0+$0xFFFFFFA0]  }
0x115: {  	v7 =	vld [tilespmem:s10+$0xFFFFFFA0];
	v0 =	vadd.f32 v2, v0  }
0x116: {  	[tilespmem:s29+$0xFFFFFF10] =	vst v4;
	v2 =	vld [tilespmem:s28+$0xFFFFFF70]  }
0x117: {  	v4 =	vld [tilespmem:s0+$0xFFFFFF20];
	[tilespmem:s29+$0x10] =	vst v0;
	v0 =	vadd.f32 v1, v6  }
0x118: {  	v1 =	vld [tilespmem:s10+$0xFFFFFF20]  }
0x119: {  	v6 =	vld [tilespmem:s0+$0x20];
	[tilespmem:s29+$0xA0] =	vst v0  }
0x11a: {  	v0 =	vadd.f32 v7, v5;
	v5 =	vld [tilespmem:s0+$0xB0]  }
0x11b: {  	v7 =	vld [tilespmem:s10+$0xB0];
	v2 =	vadd.f32 v2, v3  }
0x11c: {  	[tilespmem:s29+$0xFFFFFFA0] =	vst v0;
	v0 =	vld [tilespmem:s10+$0x20]  }
0x11d: {  	v1 =	vadd.f32 v1, v4;
	v3 =	vld [tilespmem:s0+$0xFFFFFFB0];
	[tilespmem:s30+$0xFFFFFF70] =	vst v2  }
0x11e: {  	v2 =	vld [tilespmem:s10+$0xFFFFFFB0]  }
0x11f: {  	[tilespmem:s29+$0xFFFFFF20] =	vst v1;
	v1 =	vld [tilespmem:s26+$0xFFFFFFF0]  }
0x120: {  	v4 =	vld [tilespmem:s0+$0xFFFFFF30];
	v5 =	vadd.f32 v7, v5  }
0x121: {  	v7 =	vld [tilespmem:s10+$0xFFFFFF30];
	v0 =	vadd.f32 v0, v6  }
0x122: {  	[tilespmem:s29+$0xB0] =	vst v5;
	v5 =	vld [tilespmem:s28+$0xFFFFFFF0]  }
0x123: {  	v2 =	vadd.f32 v2, v3;
	[tilespmem:s29+$0x20] =	vst v0;
	v0 =	vld [tilespmem:s0+$0xC0]  }
0x124: {  	v3 =	vld [tilespmem:s10+$0xC0]  }
0x125: {  	[tilespmem:s29+$0xFFFFFFB0] =	vst v2;
	v2 =	vld [tilespmem:s0+$0x30]  }
0x126: {  	v4 =	vadd.f32 v7, v4;
	v6 =	vld [tilespmem:s10+$0x30]  }
0x127: {  	v7 =	vld [tilespmem:s0+$0xFFFFFFC0];
	v1 =	vadd.f32 v5, v1  }
0x128: {  	[tilespmem:s29+$0xFFFFFF30] =	vst v4;
	v4 =	vld [tilespmem:s10+$0xFFFFFFC0]  }
0x129: {  	v5 =	vld [tilespmem:s0+$0xFFFFFF40];
	v0 =	vadd.f32 v3, v0;
	[tilespmem:s30+$0xFFFFFFF0] =	vst v1  }
0x12a: {  	v1 =	vld [tilespmem:s10+$0xFFFFFF40]  }
0x12b: {  	v2 =	vadd.f32 v6, v2;
	[tilespmem:s29+$0xC0] =	vst v0;
	v3 =	vld [tilespmem:s26+$0x70];
	s26 =	smov.u32 s0  }
0x12c: {  	v0 =	vld [tilespmem:s0+$0xD0]  }
0x12d: {  	v4 =	vadd.f32 v4, v7;
	[tilespmem:s29+$0x30] =	vst v2;
	v2 =	vld [tilespmem:s10+$0xD0]  }
0x12e: {  	v6 =	vld [tilespmem:s0+$0x40]  }
0x12f: {  	v1 =	vadd.f32 v1, v5;
	[tilespmem:s29+$0xFFFFFFC0] =	vst v4;
	v4 =	vld [tilespmem:s10+$0x40]  }
0x130: {  	v5 =	vld [tilespmem:s0+$0xFFFFFFD0]  }
0x131: {  	[tilespmem:s29+$0xFFFFFF40] =	vst v1;
	v1 =	vld [tilespmem:s10+$0xFFFFFFD0]  }
0x132: {  	v7 =	vld [tilespmem:s0+$0xFFFFFF50];
	v0 =	vadd.f32 v2, v0  }
0x133: {  	v2 =	vld [tilespmem:s10+$0xFFFFFF50]  }
0x134: {  	v4 =	vadd.f32 v4, v6;
	[tilespmem:s29+$0xD0] =	vst v0;
	v6 =	vld [tilespmem:s28+$0x70];
	s28 =	smov.u32 s10  }
0x135: {  	v8 =	vld [tilespmem:s0+$0xE0]  }
0x136: {  	v0 =	vadd.f32 v1, v5;
	[tilespmem:s29+$0x40] =	vst v4;
	v5 =	vld [tilespmem:s10+$0xE0]  }
0x137: {  	v1 =	vld [tilespmem:s0+$0x50]  }
.Ltmp4:
0x138: {  	v2 =	vadd.f32 v2, v7;
	[tilespmem:s29+$0xFFFFFFD0] =	vst v0;
	v4 =	vld [tilespmem:s10+$0x50];
	(pc) =	sbr.rel @p0 .LBB2_9-.Ltmp4, $4  }
0x139: {  	v0 =	vld [tilespmem:s0+$0xFFFFFFE0];
	v7 =	vadd.f32 v6, v3  }
0x13a: {  	[tilespmem:s29+$0xFFFFFF50] =	vst v2;
	v3 =	vld [tilespmem:s10+$0xFFFFFFE0]  }
0x13b: {  	v2 =	vld [tilespmem:s0+$0xFFFFFF60];
	v6 =	vadd.f32 v5, v8;
	[tilespmem:s30+$0x70] =	vst v7;
	s30 =	smov.u32 s29  }
0x13c: {  	s0 =	sadd.s32 $0x200, s0;
	v5 =	vld [tilespmem:s10+$0xFFFFFF60]  }
0x13d: {  	v1 =	vadd.f32 v4, v1;
	_ =	sdelay $0x1  }
0x13e: {  	[tilespmem:s29+$0x50] =	vst v1  }
0x13f: {  	v1 =	vld [tilespmem:s26+$0x60]  }
0x140: {  	v55 =	vld [tilespmem:s28+$0x60]  }
0x141: {  	[tilespmem:s29+$0xE0] =	vst v6;
	v0 =	vadd.f32 v3, v0  }
0x142: {  	v56 =	vld [tilespmem:s26+$0xF0]  }
0x143: {  	v57 =	vld [tilespmem:s28+$0xF0];
	v2 =	vadd.f32 v5, v2;
	[tilespmem:s29+$0xFFFFFFE0] =	vst v0  }
0x144: {  	v60 =	vld [tilespmem:s26+$0xFFFFFFF0]  }
0x145: {  	v61 =	vld [tilespmem:s28+$0xFFFFFFF0];
	[tilespmem:s29+$0xFFFFFF60] =	vst v2;
	v58 =	vadd.f32 v55, v1  }
0x146: {  	v2 =	vld [tilespmem:s26+$0xFFFFFF70]  }
0x147: {  	v59 =	vld [tilespmem:s28+$0xFFFFFF70];
	[tilespmem:s30+$0x60] =	vst v58  }
0x148: {  	v62 =	vld [tilespmem:s26+$0x70]  }
0x149: {  	v7 =	vld [tilespmem:s28+$0x70];
	_ =	sdelay $0x1  }
0x14a: {  	s24 =	sadd.s32 $0x1, s24;
	v3 =	vadd.f32 v57, v56  }
0x14b: {  	p0 =	sne.s32 s24, $0x40;
	v0 =	vadd.f32 v61, v60  }
.Ltmp5:
0x14c: {  	[tilespmem:s30+$0xF0] =	vst v3;
	v1 =	vadd.f32 v59, v2;
	(pc) =	sbr.rel @p0 .LBB2_2-.Ltmp5, $4  }
0x14d: {  	s0 =	sadd.s32 s2, s25;
	[tilespmem:s30+$0xFFFFFFF0] =	vst v0;
	v63 =	vadd.f32 v7, v62  }
0x14e: {  	s0 =	sshll.u32 s0, $0x4;
	[tilespmem:s30+$0xFFFFFF70] =	vst v1  }
0x14f: {  	s0 =	sadd.s32 s5, s0;
	[tilespmem:s30+$0x70] =	vst v63  }
0x150: {  	[hbm4b:s0+s16] =	stream.strided.scatter [tilespmem:s21], [sflag:$0x4], $0x1800, s17, s16, $0x38;
	[tilespmem:$0xA800] =	vst v63  }
0x151: {  	s23 =	sadd.s32 $0x1, s23  }
0x152: {  	_ =	swait.ge [sflag:s22], $0x1800;
	p0 =	sne.s32 s23, s8  }
.Ltmp6:
0x153: {  	[sflag:s22] =	ssyncset.done $0x0;
	(pc) =	sbr.rel @p0 .LBB2_1-.Ltmp6, $4  }
0x154: {  	[sflag:s22] =	ssyncadd.s32 $0xFFFFE800  }
0x155: {  	_ =	swait.ge [sflag:s20], $0x1800  }
0x156: {  	[sflag:s20] =	ssyncset.done $0x0  }
0x157: {  	[sflag:s20] =	ssyncadd.s32 $0xFFFFE800  }
0x158: {  	_ =	sfence.sel $0x180000  }
0x159: {  	[bflag:$0x0] =	sbarrier.arrive $0xFFFF  }
0x15a: {  	_ =	strace $0x9000004A  }
0x15b: {  	s0 =	stileid.u32;
	[bflag:$0x2] =	sbarrier.arrive $0xFFFF  }
0x15c: {  	p0 =	sne.s32 s0, $0x0;
	s0 =	rddreg [dreg:$0x1]  }
0x15d: {  	s0 =	sadd.s32 @!p0 $0x100000, s0  }
0x15e: {  	[sflag:s0] =	ssyncadd.tile.s32 @!p0 $0x1;
	_ =	shalt  }
.Lfunc_end2:
_tile_overlayer_lowered:
.L_overlay_start_2:
0x15f: {  	(tag) =	ssettag $0x2  }
0x160: {  	s0 =	rddreg [dreg:$0x0];
	s2 =	stileid.u32  }
0x161: {  	s1 =	rddreg [dreg:$0x1];
	p0 =	sne.s32 s2, $0x0  }
0x162: {  	s3 =	rddreg [dreg:$0x2];
	[bflag:$0x3] =	sbarrier.arrive $0xFFFF;
	s2 =	simm.s32 @!p0 $0x1C05  }
0x163: {  	[timem:s3], [sflag:s2] =	dma.local @!p0 [hbm:s0], s1  }
0x164: {  	s0 =	simm.s32 @!p0 $0x5  }
0x165: {  	_ =	swait.ge @!p0 [sflag:s0], s1  }
0x166: {  	s1 =	ssub.s32 @!p0 $0x0, s1;
	[sflag:s0] =	ssyncset.done @!p0 $0x0  }
0x167: {  	[sflag:s0] =	ssyncadd.s32 @!p0 s1  }
0x168: {  	[bflag:$0x3] =	sbarrier.arrive $0xFFFF  }
0x169: {  	_ =	shalt  }

</sc_bundles>
